<compile_context>
chip_gen: v7x
topology: tpu7x:2x2x1
jax: 0.10.2.dev20260603
libtpu: 0.0.44.dev20260713+nightly
codegen_flags: <defaults>
</compile_context>

<pallas_src>
import functools

import jax
import jax.numpy as jnp
from jax import lax
from jax.experimental import pallas as pl
from jax.experimental.pallas import tpu as pltpu
from jax.experimental.pallas import tpu_sc as plsc

K_SEL = 4

_NC = 2
_NS = 16
_NW = _NC * _NS

_F32 = jnp.float32
_BF16 = jnp.bfloat16


def _sc_gather(u, i, user_table, item_table):
    B = u.shape[0]
    D = user_table.shape[1]
    bpw = B // _NW

    mesh = plsc.VectorSubcoreMesh(core_axis_name="c", subcore_axis_name="s")

    @functools.partial(
        pl.kernel,
        mesh=mesh,
        out_type=[
            jax.ShapeDtypeStruct((B, D), _F32),
            jax.ShapeDtypeStruct((B, D), _F32),
        ],
        scratch_types=[
            pltpu.VMEM((bpw,), jnp.int32),
            pltpu.VMEM((bpw, D), _F32),
            pltpu.VMEM((bpw,), jnp.int32),
            pltpu.VMEM((bpw, D), _F32),
            pltpu.SemaphoreType.DMA,
            pltpu.SemaphoreType.DMA,
        ],
    )
    def gather_kernel(u_hbm, i_hbm, ut_hbm, it_hbm, eu_hbm, ei_hbm,
                      uidx_v, urow_v, iidx_v, irow_v, sem_u, sem_i):
        wid = lax.axis_index("s") * _NC + lax.axis_index("c")
        base = wid * bpw
        pltpu.sync_copy(u_hbm.at[pl.ds(base, bpw)], uidx_v)
        pltpu.sync_copy(i_hbm.at[pl.ds(base, bpw)], iidx_v)
        cu = pltpu.async_copy(ut_hbm.at[uidx_v], urow_v, sem_u)
        ci = pltpu.async_copy(it_hbm.at[iidx_v], irow_v, sem_i)
        cu.wait()
        ci.wait()
        pltpu.sync_copy(urow_v, eu_hbm.at[pl.ds(base, bpw)])
        pltpu.sync_copy(irow_v, ei_hbm.at[pl.ds(base, bpw)])

    return gather_kernel(u, i, user_table, item_table)


def _dot(a, b):
    return lax.dot_general(a, b, (((1,), (0,)), ((), ())),
                           preferred_element_type=_F32)


def _select_aspects(feat, pool, pb, npool):
    g = lax.dot_general(feat, pool, (((1,), (1,)), ((), ())),
                        precision=lax.Precision.HIGHEST,
                        preferred_element_type=_F32)
    logits0 = 2.0 * g - npool
    m0 = jnp.max(logits0, axis=1, keepdims=True)
    e = jnp.exp(logits0 - m0)
    den = jnp.sum(e, axis=1, keepdims=True)
    aspects = []
    for k in range(K_SEL):
        p = e * (1.0 / den)
        aspects.append(_dot(p.astype(_BF16), pb))
        if k == K_SEL - 1:
            break
        w = jnp.max(e, axis=1, keepdims=True)
        h = (e == w).astype(_F32)
        e = e * (1.0 - h)
        den = den - w
    return aspects


def _tc_kernel(eu_ref, ei_ref, pu_ref, pi_ref, wq_ref, wk_ref, wv_ref,
               out_ref, npool_ref, pbu_ref, pbi_ref):
    @pl.when(pl.program_id(0) == 0)
    def _():
        pu = pu_ref[...]
        pi = pi_ref[...]
        npool_ref[0:1, :] = jnp.sum(pu * pu, axis=1)[None, :]
        npool_ref[1:2, :] = jnp.sum(pi * pi, axis=1)[None, :]
        pbu_ref[...] = pu.astype(_BF16)
        pbi_ref[...] = pi.astype(_BF16)

    u_asp = _select_aspects(eu_ref[...], pu_ref[...], pbu_ref[...],
                            npool_ref[0:1, :])
    i_asp = _select_aspects(ei_ref[...], pi_ref[...], pbi_ref[...],
                            npool_ref[1:2, :])

    wqb = wq_ref[...].astype(_BF16)
    wkb = wk_ref[...].astype(_BF16)
    wvb = wv_ref[...].astype(_BF16)
    qs = [_dot(a.astype(_BF16), wqb) for a in i_asp]
    ks = [_dot(a.astype(_BF16), wkb) for a in u_asp]
    vs = [_dot(a.astype(_BF16), wvb) for a in u_asp]
    qb = [q.astype(_BF16).astype(_F32) for q in qs]
    kb = [k.astype(_BF16).astype(_F32) for k in ks]
    vb = [v.astype(_BF16).astype(_F32) for v in vs]

    scale = lax.rsqrt(jnp.float32(qs[0].shape[-1]))
    acc = None
    for k in range(K_SEL):
        lg = [jnp.sum(qb[k] * kb[j], axis=1, keepdims=True) * scale
              for j in range(K_SEL)]
        es = [jnp.exp(x) for x in lg]
        ssum = es[0]
        for j in range(1, K_SEL):
            ssum = ssum + es[j]
        inv = 1.0 / ssum
        u_tilde = None
        for j in range(K_SEL):
            a_kj = (es[j] * inv).astype(_BF16).astype(_F32)
            term = a_kj * vb[j]
            u_tilde = term if u_tilde is None else u_tilde + term
        score_k = jnp.sum(u_tilde * i_asp[k], axis=1)
        acc = score_k if acc is None else acc + score_k
    out_ref[0, 0, :] = acc * (1.0 / K_SEL)


def _tc_compute(e_u, e_i, Pu, Pi, Wq, Wk, Wv, interpret=False):
    B, D = e_u.shape
    BB = 1024
    grid = (B // BB,)
    N = Pu.shape[0]
    out = pl.pallas_call(
        _tc_kernel,
        grid=grid,
        in_specs=[
            pl.BlockSpec((BB, D), lambda b: (b, 0)),
            pl.BlockSpec((BB, D), lambda b: (b, 0)),
            pl.BlockSpec(Pu.shape, lambda b: (0, 0)),
            pl.BlockSpec(Pi.shape, lambda b: (0, 0)),
            pl.BlockSpec(Wq.shape, lambda b: (0, 0)),
            pl.BlockSpec(Wk.shape, lambda b: (0, 0)),
            pl.BlockSpec(Wv.shape, lambda b: (0, 0)),
        ],
        out_specs=pl.BlockSpec((1, 1, BB), lambda b: (b, 0, 0)),
        out_shape=jax.ShapeDtypeStruct((B // BB, 1, BB), _F32),
        scratch_shapes=[
            pltpu.VMEM((8, N), _F32),
            pltpu.VMEM((N, D), _BF16),
            pltpu.VMEM((N, D), _BF16),
        ],
        compiler_params=pltpu.CompilerParams(
            dimension_semantics=("arbitrary",)),
        interpret=interpret,
    )(e_u, e_i, Pu, Pi, Wq, Wk, Wv)
    return out.reshape(B)


def kernel(u, i, user_table, item_table, Pu, Pi, Wq, Wk, Wv):
    e_u, e_i = _sc_gather(u, i, user_table, item_table)
    return _tc_compute(e_u, e_i, Pu, Pi, Wq, Wk, Wv)

# --- scband reference (transcript-rebuilt; emitter-appended) ---
"""Pipeline reference for scband-lmrrs-54030688584135 (READ-ONLY COPY).

The authoritative reference and input builder live on the scoring server;
editing this copy changes nothing except your own understanding.
"""

import jax, jax.numpy as jnp
import numpy as np

K_SEL = 4
TEMPERATURE = 1.0


def topk_select(feat, pool):
    temp = jnp.maximum(jnp.float32(TEMPERATURE), jnp.float32(1e-8))
    dist2 = jnp.sum(jnp.square(feat[:, None, :] - pool[None, :, :]), axis=-1)
    logits0 = -dist2 / temp
    B, N = logits0.shape
    mask = jnp.zeros((B, N), dtype=jnp.float32)
    neg_inf = jnp.float32(-1e9)
    selected = []
    for _ in range(K_SEL):
        logits = logits0 + mask * neg_inf
        p_soft = jax.nn.softmax(logits, axis=-1)
        idx = jnp.argmax(logits, axis=-1)
        p_hard = jax.nn.one_hot(idx, N, dtype=jnp.float32)
        p_ste = p_hard + jax.lax.stop_gradient(p_soft - p_hard)
        aspect = p_ste @ pool
        selected.append(aspect[:, None, :])
        mask = mask + p_hard
    return jnp.concatenate(selected, axis=1)


def attention_score(user_aspects, item_aspects, Wq, Wk, Wv):
    Q = item_aspects @ Wq
    K = user_aspects @ Wk
    V = user_aspects @ Wv
    d = Q.shape[-1]
    scale = jax.lax.rsqrt(jnp.float32(d))
    logits = jnp.einsum('bkd,bjd->bkj', Q, K) * scale
    A = jax.nn.softmax(logits, axis=-1)
    U_tilde = jnp.einsum('bkj,bjd->bkd', A, V)
    aspect_scores = jnp.sum(U_tilde * item_aspects, axis=-1)
    return jnp.mean(aspect_scores, axis=-1)


def setup_inputs(seed: int = 0):
    key = jax.random.key(seed)
    ks = jax.random.split(key, 9)
    num_users = 100000
    num_items = 100000
    dim = 128
    Nu = 512
    Ni = 512
    B = 1024
    scale = 0.05
    u = jax.random.randint(ks[0], (B,), 0, num_users, dtype=jnp.int32)
    i = jax.random.randint(ks[1], (B,), 0, num_items, dtype=jnp.int32)
    user_table = jax.random.normal(ks[2], (num_users, dim), dtype=jnp.float32) * scale
    item_table = jax.random.normal(ks[3], (num_items, dim), dtype=jnp.float32) * scale
    Pu = jax.random.normal(ks[4], (Nu, dim), dtype=jnp.float32) * scale
    Pi = jax.random.normal(ks[5], (Ni, dim), dtype=jnp.float32) * scale
    Wq = jax.random.normal(ks[6], (dim, dim), dtype=jnp.float32) * (1.0 / np.sqrt(dim))
    Wk = jax.random.normal(ks[7], (dim, dim), dtype=jnp.float32) * (1.0 / np.sqrt(dim))
    Wv = jax.random.normal(ks[8], (dim, dim), dtype=jnp.float32) * (1.0 / np.sqrt(dim))
    return {"u": u, "i": i, "user_table": user_table, "item_table": item_table,
            "Pu": Pu, "Pi": Pi, "Wq": Wq, "Wk": Wk, "Wv": Wv}


def reference(u, i, user_table, item_table, Pu, Pi, Wq, Wk, Wv):
    e_u = jnp.take(user_table, u, axis=0)
    e_i = jnp.take(item_table, i, axis=0)
    U_sel = topk_select(e_u, Pu)
    I_sel = topk_select(e_i, Pi)
    return attention_score(U_sel, I_sel, Wq, Wk, Wv)

if __name__ == "__main__":
    import jax
    _d = setup_inputs()
    print(jax.jit(kernel)(*tuple(_d.values())))

</pallas_src>

<mosaic_0001>
#map = affine_map<(d0, d1) -> (0)>
#map1 = affine_map<(d0, d1) -> (0, 0)>
module attributes {stable_mosaic.version = 14 : i64} {
  func.func @gather_kernel(%arg0: i32, %arg1: i32, %arg2: memref<1024xi32, #tpu.memory_space<hbm>>, %arg3: memref<1024xi32, #tpu.memory_space<hbm>>, %arg4: memref<100000x128xf32, #tpu.memory_space<hbm>>, %arg5: memref<100000x128xf32, #tpu.memory_space<hbm>>, %arg6: memref<1024x128xf32, #tpu.memory_space<hbm>>, %arg7: memref<1024x128xf32, #tpu.memory_space<hbm>>, %arg8: memref<32xi32, #tpu.memory_space<vmem>>, %arg9: memref<32x128xf32, #tpu.memory_space<vmem>>, %arg10: memref<32xi32, #tpu.memory_space<vmem>>, %arg11: memref<32x128xf32, #tpu.memory_space<vmem>>, %arg12: memref<!tpu.dma_semaphore, #tpu.memory_space<semaphore_mem>>, %arg13: memref<!tpu.dma_semaphore, #tpu.memory_space<semaphore_mem>>) attributes {dimension_semantics = [#tpu.dimension_semantics<core_parallel>, #tpu.dimension_semantics<subcore_parallel>], iteration_bounds = array<i64: 2, 16>, scalar_prefetch = 0 : i64, scratch_operands = 6 : i64, tpu.core_type = #tpu.core_type<sc_vector_subcore>, window_params = [{transform_indices = #map}, {transform_indices = #map}, {transform_indices = #map1}, {transform_indices = #map1}, {transform_indices = #map1}, {transform_indices = #map1}]} {
    %mul3A = arith.constant 2 : i32
    %mul3A_0 = arith.muli %arg1, %mul3A : i32
    %add3A = arith.addi %mul3A_0, %arg0 : i32
    %mul3A_1 = arith.constant 32 : i32
    %mul3A_2 = arith.muli %add3A, %mul3A_1 : i32
    "tpu.region"() ({
      %run_scoped3A = tpu.sem_alloc : memref<!tpu.dma_semaphore, #tpu.memory_space<semaphore_mem>>
      %dma_start3A_13 = tpu.memref_slice %arg2[%mul3A_2] : memref<1024xi32, #tpu.memory_space<hbm>> -> memref<32xi32, #tpu.memory_space<hbm>>
      %dma_start3A_14 = tpu.memref_slice %arg2[%mul3A_2] : memref<1024xi32, #tpu.memory_space<hbm>> -> memref<32xi32, #tpu.memory_space<hbm>>
      tpu.enqueue_dma source(%dma_start3A_14 : memref<32xi32, #tpu.memory_space<hbm>>) target(%arg8 : memref<32xi32, #tpu.memory_space<vmem>>) target_semaphore(%run_scoped3A : memref<!tpu.dma_semaphore, #tpu.memory_space<semaphore_mem>>)
      %dma_wait3A_15 = tpu.memref_slice %arg2[%mul3A_2] : memref<1024xi32, #tpu.memory_space<hbm>> -> memref<32xi32, #tpu.memory_space<hbm>>
      %dma_wait3A_16 = tpu.memref_slice %arg2[%mul3A_2] : memref<1024xi32, #tpu.memory_space<hbm>> -> memref<32xi32, #tpu.memory_space<hbm>>
      tpu.wait_dma2 semaphore(%run_scoped3A : memref<!tpu.dma_semaphore, #tpu.memory_space<semaphore_mem>>) src(%dma_wait3A_16 : memref<32xi32, #tpu.memory_space<hbm>>) dst(%arg8 : memref<32xi32, #tpu.memory_space<vmem>>)
      tpu.yield
    }) : () -> ()
    "tpu.region"() ({
      %run_scoped3A = tpu.sem_alloc : memref<!tpu.dma_semaphore, #tpu.memory_space<semaphore_mem>>
      %dma_start3A_13 = tpu.memref_slice %arg3[%mul3A_2] : memref<1024xi32, #tpu.memory_space<hbm>> -> memref<32xi32, #tpu.memory_space<hbm>>
      %dma_start3A_14 = tpu.memref_slice %arg3[%mul3A_2] : memref<1024xi32, #tpu.memory_space<hbm>> -> memref<32xi32, #tpu.memory_space<hbm>>
      tpu.enqueue_dma source(%dma_start3A_14 : memref<32xi32, #tpu.memory_space<hbm>>) target(%arg10 : memref<32xi32, #tpu.memory_space<vmem>>) target_semaphore(%run_scoped3A : memref<!tpu.dma_semaphore, #tpu.memory_space<semaphore_mem>>)
      %dma_wait3A_15 = tpu.memref_slice %arg3[%mul3A_2] : memref<1024xi32, #tpu.memory_space<hbm>> -> memref<32xi32, #tpu.memory_space<hbm>>
      %dma_wait3A_16 = tpu.memref_slice %arg3[%mul3A_2] : memref<1024xi32, #tpu.memory_space<hbm>> -> memref<32xi32, #tpu.memory_space<hbm>>
      tpu.wait_dma2 semaphore(%run_scoped3A : memref<!tpu.dma_semaphore, #tpu.memory_space<semaphore_mem>>) src(%dma_wait3A_16 : memref<32xi32, #tpu.memory_space<hbm>>) dst(%arg10 : memref<32xi32, #tpu.memory_space<vmem>>)
      tpu.yield
    }) : () -> ()
    %dma_start3A = arith.constant 0 : i32
    %dma_start3A_3 = arith.constant 0 : i32
    %dma_start3A_4 = tpu.memref_slice %arg4[%dma_start3A, %dma_start3A_3] : memref<100000x128xf32, #tpu.memory_space<hbm>> -> memref<100000x128xf32, #tpu.memory_space<hbm>>
    tpu.enqueue_indirect_dma source(%dma_start3A_4 : memref<100000x128xf32, #tpu.memory_space<hbm>>) target(%arg9 : memref<32x128xf32, #tpu.memory_space<vmem>>) offsets(%arg8 : memref<32xi32, #tpu.memory_space<vmem>>) semaphore(%arg12 : memref<!tpu.dma_semaphore, #tpu.memory_space<semaphore_mem>>)
    %dma_start3A_5 = arith.constant 0 : i32
    %dma_start3A_6 = arith.constant 0 : i32
    %dma_start3A_7 = tpu.memref_slice %arg5[%dma_start3A_5, %dma_start3A_6] : memref<100000x128xf32, #tpu.memory_space<hbm>> -> memref<100000x128xf32, #tpu.memory_space<hbm>>
    tpu.enqueue_indirect_dma source(%dma_start3A_7 : memref<100000x128xf32, #tpu.memory_space<hbm>>) target(%arg11 : memref<32x128xf32, #tpu.memory_space<vmem>>) offsets(%arg10 : memref<32xi32, #tpu.memory_space<vmem>>) semaphore(%arg13 : memref<!tpu.dma_semaphore, #tpu.memory_space<semaphore_mem>>)
    %dma_wait3A = arith.constant 0 : i32
    %dma_wait3A_8 = arith.constant 0 : i32
    %dma_wait3A_9 = tpu.memref_slice %arg4[%dma_wait3A, %dma_wait3A_8] : memref<100000x128xf32, #tpu.memory_space<hbm>> -> memref<100000x128xf32, #tpu.memory_space<hbm>>
    tpu.wait_indirect_dma semaphore(%arg12 : memref<!tpu.dma_semaphore, #tpu.memory_space<semaphore_mem>>) src(%dma_wait3A_9 : memref<100000x128xf32, #tpu.memory_space<hbm>>) dst(%arg9 : memref<32x128xf32, #tpu.memory_space<vmem>>)
    %dma_wait3A_10 = arith.constant 0 : i32
    %dma_wait3A_11 = arith.constant 0 : i32
    %dma_wait3A_12 = tpu.memref_slice %arg5[%dma_wait3A_10, %dma_wait3A_11] : memref<100000x128xf32, #tpu.memory_space<hbm>> -> memref<100000x128xf32, #tpu.memory_space<hbm>>
    tpu.wait_indirect_dma semaphore(%arg13 : memref<!tpu.dma_semaphore, #tpu.memory_space<semaphore_mem>>) src(%dma_wait3A_12 : memref<100000x128xf32, #tpu.memory_space<hbm>>) dst(%arg11 : memref<32x128xf32, #tpu.memory_space<vmem>>)
    "tpu.region"() ({
      %run_scoped3A = tpu.sem_alloc : memref<!tpu.dma_semaphore, #tpu.memory_space<semaphore_mem>>
      %dma_start3A_13 = arith.constant 0 : i32
      %dma_start3A_14 = tpu.memref_slice %arg6[%mul3A_2, %dma_start3A_13] : memref<1024x128xf32, #tpu.memory_space<hbm>> -> memref<32x128xf32, #tpu.memory_space<hbm>>
      %dma_start3A_15 = arith.constant 0 : i32
      %dma_start3A_16 = tpu.memref_slice %arg6[%mul3A_2, %dma_start3A_15] : memref<1024x128xf32, #tpu.memory_space<hbm>> -> memref<32x128xf32, #tpu.memory_space<hbm>>
      tpu.enqueue_dma source(%arg9 : memref<32x128xf32, #tpu.memory_space<vmem>>) target(%dma_start3A_16 : memref<32x128xf32, #tpu.memory_space<hbm>>) target_semaphore(%run_scoped3A : memref<!tpu.dma_semaphore, #tpu.memory_space<semaphore_mem>>)
      %dma_wait3A_17 = arith.constant 0 : i32
      %dma_wait3A_18 = tpu.memref_slice %arg6[%mul3A_2, %dma_wait3A_17] : memref<1024x128xf32, #tpu.memory_space<hbm>> -> memref<32x128xf32, #tpu.memory_space<hbm>>
      %dma_wait3A_19 = arith.constant 0 : i32
      %dma_wait3A_20 = tpu.memref_slice %arg6[%mul3A_2, %dma_wait3A_19] : memref<1024x128xf32, #tpu.memory_space<hbm>> -> memref<32x128xf32, #tpu.memory_space<hbm>>
      tpu.wait_dma2 semaphore(%run_scoped3A : memref<!tpu.dma_semaphore, #tpu.memory_space<semaphore_mem>>) src(%arg9 : memref<32x128xf32, #tpu.memory_space<vmem>>) dst(%dma_wait3A_20 : memref<32x128xf32, #tpu.memory_space<hbm>>)
      tpu.yield
    }) : () -> ()
    "tpu.region"() ({
      %run_scoped3A = tpu.sem_alloc : memref<!tpu.dma_semaphore, #tpu.memory_space<semaphore_mem>>
      %dma_start3A_13 = arith.constant 0 : i32
      %dma_start3A_14 = tpu.memref_slice %arg7[%mul3A_2, %dma_start3A_13] : memref<1024x128xf32, #tpu.memory_space<hbm>> -> memref<32x128xf32, #tpu.memory_space<hbm>>
      %dma_start3A_15 = arith.constant 0 : i32
      %dma_start3A_16 = tpu.memref_slice %arg7[%mul3A_2, %dma_start3A_15] : memref<1024x128xf32, #tpu.memory_space<hbm>> -> memref<32x128xf32, #tpu.memory_space<hbm>>
      tpu.enqueue_dma source(%arg11 : memref<32x128xf32, #tpu.memory_space<vmem>>) target(%dma_start3A_16 : memref<32x128xf32, #tpu.memory_space<hbm>>) target_semaphore(%run_scoped3A : memref<!tpu.dma_semaphore, #tpu.memory_space<semaphore_mem>>)
      %dma_wait3A_17 = arith.constant 0 : i32
      %dma_wait3A_18 = tpu.memref_slice %arg7[%mul3A_2, %dma_wait3A_17] : memref<1024x128xf32, #tpu.memory_space<hbm>> -> memref<32x128xf32, #tpu.memory_space<hbm>>
      %dma_wait3A_19 = arith.constant 0 : i32
      %dma_wait3A_20 = tpu.memref_slice %arg7[%mul3A_2, %dma_wait3A_19] : memref<1024x128xf32, #tpu.memory_space<hbm>> -> memref<32x128xf32, #tpu.memory_space<hbm>>
      tpu.wait_dma2 semaphore(%run_scoped3A : memref<!tpu.dma_semaphore, #tpu.memory_space<semaphore_mem>>) src(%arg11 : memref<32x128xf32, #tpu.memory_space<vmem>>) dst(%dma_wait3A_20 : memref<32x128xf32, #tpu.memory_space<hbm>>)
      tpu.yield
    }) : () -> ()
    return
  }
}

module attributes {stable_mosaic.version = 14 : i64} {
  func.func @_tc_kernel(%arg0: i32, %arg1: memref<1024x128xf32, #tpu.memory_space<vmem>>, %arg2: memref<1024x128xf32, #tpu.memory_space<vmem>>, %arg3: memref<512x128xf32, #tpu.memory_space<vmem>>, %arg4: memref<512x128xf32, #tpu.memory_space<vmem>>, %arg5: memref<128x128xf32, #tpu.memory_space<vmem>>, %arg6: memref<128x128xf32, #tpu.memory_space<vmem>>, %arg7: memref<128x128xf32, #tpu.memory_space<vmem>>, %arg8: memref<1x1x1024xf32, #tpu.memory_space<vmem>>, %arg9: memref<8x512xf32, #tpu.memory_space<vmem>>, %arg10: memref<512x128xbf16, #tpu.memory_space<vmem>>, %arg11: memref<512x128xbf16, #tpu.memory_space<vmem>>) attributes {dimension_semantics = [#tpu.dimension_semantics<arbitrary>], iteration_bounds = array<i64: 1>, scalar_prefetch = 0 : i64, scratch_operands = 3 : i64, tpu.core_type = #tpu.core_type<tc>, window_params = [{transform_indices = @transform_0, window_bounds = array<i64: 1024, 128>}, {transform_indices = @transform_1, window_bounds = array<i64: 1024, 128>}, {pipeline_mode = #tpu.pipeline_mode<synchronous>, transform_indices = @transform_2, window_bounds = array<i64: 512, 128>}, {pipeline_mode = #tpu.pipeline_mode<synchronous>, transform_indices = @transform_3, window_bounds = array<i64: 512, 128>}, {pipeline_mode = #tpu.pipeline_mode<synchronous>, transform_indices = @transform_4, window_bounds = array<i64: 128, 128>}, {pipeline_mode = #tpu.pipeline_mode<synchronous>, transform_indices = @transform_5, window_bounds = array<i64: 128, 128>}, {pipeline_mode = #tpu.pipeline_mode<synchronous>, transform_indices = @transform_6, window_bounds = array<i64: 128, 128>}, {transform_indices = @transform_7, window_bounds = array<i64: 1, 1, 1024>}]} {
    %eq3A = arith.constant 0 : i32
    %eq3A_0 = arith.cmpi eq, %arg0, %eq3A : i32
    %convert_element_type3A = arith.extui %eq3A_0 : i1 to i32
    %cond3A = arith.constant 0 : i32
    %cond3A_1 = arith.cmpi ne, %convert_element_type3A, %cond3A : i32
    scf.if %cond3A_1 {
      %get3A_508 = arith.constant 0 : index
      %get3A_509 = arith.constant 0 : index
      %get3A_510 = vector.load %arg3[%get3A_508, %get3A_509] : memref<512x128xf32, #tpu.memory_space<vmem>>, vector<512x128xf32>
      %get3A_511 = arith.constant 0 : index
      %get3A_512 = arith.constant 0 : index
      %get3A_513 = vector.load %arg4[%get3A_511, %get3A_512] : memref<512x128xf32, #tpu.memory_space<vmem>>, vector<512x128xf32>
      %mul3A_514 = arith.mulf %get3A_510, %get3A_510 : vector<512x128xf32>
      %reduce_sum3A_515 = arith.constant dense<0.000000e+00> : vector<512xf32>
      %reduce_sum3A_516 = vector.multi_reduction <add>, %mul3A_514, %reduce_sum3A_515 [1] : vector<512x128xf32> to vector<512xf32>
      %broadcast_in_dim3A_517 = vector.shape_cast %reduce_sum3A_516 : vector<512xf32> to vector<1x512xf32>
      %swap3A_518 = arith.constant 0 : index
      %swap3A_519 = arith.constant 0 : index
      %swap3A_520 = vector.load %arg9[%swap3A_518, %swap3A_519] : memref<8x512xf32, #tpu.memory_space<vmem>>, vector<1x512xf32>
      tpu.vector_store %arg9[%swap3A_518, %swap3A_519], %broadcast_in_dim3A_517 {strides = array<i32>} : memref<8x512xf32, #tpu.memory_space<vmem>>, vector<1x512xf32>,
      %mul3A_521 = arith.mulf %get3A_513, %get3A_513 : vector<512x128xf32>
      %reduce_sum3A_522 = arith.constant dense<0.000000e+00> : vector<512xf32>
      %reduce_sum3A_523 = vector.multi_reduction <add>, %mul3A_521, %reduce_sum3A_522 [1] : vector<512x128xf32> to vector<512xf32>
      %broadcast_in_dim3A_524 = vector.shape_cast %reduce_sum3A_523 : vector<512xf32> to vector<1x512xf32>
      %swap3A_525 = arith.constant 1 : index
      %swap3A_526 = arith.constant 0 : index
      %swap3A_527 = vector.load %arg9[%swap3A_525, %swap3A_526] : memref<8x512xf32, #tpu.memory_space<vmem>>, vector<1x512xf32>
      tpu.vector_store %arg9[%swap3A_525, %swap3A_526], %broadcast_in_dim3A_524 {strides = array<i32>} : memref<8x512xf32, #tpu.memory_space<vmem>>, vector<1x512xf32>,
      %convert_element_type3A_528 = arith.truncf %get3A_510 : vector<512x128xf32> to vector<512x128xbf16>
      %swap3A_529 = arith.constant 0 : index
      %swap3A_530 = arith.constant 0 : index
      %swap3A_531 = vector.load %arg10[%swap3A_529, %swap3A_530] : memref<512x128xbf16, #tpu.memory_space<vmem>>, vector<512x128xbf16>
      tpu.vector_store %arg10[%swap3A_529, %swap3A_530], %convert_element_type3A_528 {strides = array<i32>} : memref<512x128xbf16, #tpu.memory_space<vmem>>, vector<512x128xbf16>,
      %convert_element_type3A_532 = arith.truncf %get3A_513 : vector<512x128xf32> to vector<512x128xbf16>
      %swap3A_533 = arith.constant 0 : index
      %swap3A_534 = arith.constant 0 : index
      %swap3A_535 = vector.load %arg11[%swap3A_533, %swap3A_534] : memref<512x128xbf16, #tpu.memory_space<vmem>>, vector<512x128xbf16>
      tpu.vector_store %arg11[%swap3A_533, %swap3A_534], %convert_element_type3A_532 {strides = array<i32>} : memref<512x128xbf16, #tpu.memory_space<vmem>>, vector<512x128xbf16>,
    } else {
    }
    %get3A = arith.constant 0 : index
    %get3A_2 = arith.constant 0 : index
    %get3A_3 = vector.load %arg1[%get3A, %get3A_2] : memref<1024x128xf32, #tpu.memory_space<vmem>>, vector<1024x128xf32>
    %get3A_4 = arith.constant 0 : index
    %get3A_5 = arith.constant 0 : index
    %get3A_6 = vector.load %arg3[%get3A_4, %get3A_5] : memref<512x128xf32, #tpu.memory_space<vmem>>, vector<512x128xf32>
    %get3A_7 = arith.constant 0 : index
    %get3A_8 = arith.constant 0 : index
    %get3A_9 = vector.load %arg10[%get3A_7, %get3A_8] : memref<512x128xbf16, #tpu.memory_space<vmem>>, vector<512x128xbf16>
    %get3A_10 = arith.constant 0 : index
    %get3A_11 = arith.constant 0 : index
    %get3A_12 = vector.load %arg9[%get3A_10, %get3A_11] : memref<8x512xf32, #tpu.memory_space<vmem>>, vector<1x512xf32>
    %dot_general3A = arith.constant dense<0.000000e+00> : vector<1024x512xf32>
    %dot_general3A_13 = tpu.matmul %get3A_3, %get3A_6, %dot_general3A {dimension_numbers = #tpu.dot_dimension_numbers<[1], [1], [0], [0], [0, 0, 1, 0], [], []>, precision = #tpu.contract_precision<fp32>, transpose_lhs_hint = false} : vector<1024x128xf32>, vector<512x128xf32>, vector<1024x512xf32> -> vector<1024x512xf32>
    %mul3A = arith.constant 2.000000e+00 : f32
    %mul3A_14 = vector.broadcast %mul3A : f32 to vector<1024x512xf32>
    %mul3A_15 = arith.mulf %mul3A_14, %dot_general3A_13 : vector<1024x512xf32>
    %sub3A = vector.broadcast %get3A_12 : vector<1x512xf32> to vector<1024x512xf32>
    %sub3A_16 = arith.subf %mul3A_15, %sub3A : vector<1024x512xf32>
    %reduce_max3A = arith.constant dense<0xFF800000> : vector<1024xf32>
    %reduce_max3A_17 = vector.multi_reduction <maximumf>, %sub3A_16, %reduce_max3A [1] : vector<1024x512xf32> to vector<1024xf32>
    %broadcast_in_dim3A = vector.shape_cast %reduce_max3A_17 : vector<1024xf32> to vector<1024x1xf32>
    %sub3A_18 = vector.broadcast %broadcast_in_dim3A : vector<1024x1xf32> to vector<1024x512xf32>
    %sub3A_19 = arith.subf %sub3A_16, %sub3A_18 : vector<1024x512xf32>
    %exp3A = math.exp %sub3A_19 : vector<1024x512xf32>
    %reduce_sum3A = arith.constant dense<0.000000e+00> : vector<1024xf32>
    %reduce_sum3A_20 = vector.multi_reduction <add>, %exp3A, %reduce_sum3A [1] : vector<1024x512xf32> to vector<1024xf32>
    %broadcast_in_dim3A_21 = vector.shape_cast %reduce_sum3A_20 : vector<1024xf32> to vector<1024x1xf32>
    %div3A = arith.constant 1.000000e+00 : f32
    %div3A_22 = vector.broadcast %div3A : f32 to vector<1024x1xf32>
    %div3A_23 = arith.divf %div3A_22, %broadcast_in_dim3A_21 : vector<1024x1xf32>
    %mul3A_24 = vector.broadcast %div3A_23 : vector<1024x1xf32> to vector<1024x512xf32>
    %mul3A_25 = arith.mulf %exp3A, %mul3A_24 : vector<1024x512xf32>
    %convert_element_type3A_26 = arith.truncf %mul3A_25 : vector<1024x512xf32> to vector<1024x512xbf16>
    %dot_general3A_27 = arith.constant dense<0.000000e+00> : vector<1024x128xf32>
    %dot_general3A_28 = tpu.matmul %convert_element_type3A_26, %get3A_9, %dot_general3A_27 {dimension_numbers = #tpu.dot_dimension_numbers<[1], [0], [0], [1], [0, 0, 1, 1], [], []>, transpose_lhs_hint = false} : vector<1024x512xbf16>, vector<512x128xbf16>, vector<1024x128xf32> -> vector<1024x128xf32>
    %reduce_max3A_29 = arith.constant dense<0xFF800000> : vector<1024xf32>
    %reduce_max3A_30 = vector.multi_reduction <maximumf>, %exp3A, %reduce_max3A_29 [1] : vector<1024x512xf32> to vector<1024xf32>
    %broadcast_in_dim3A_31 = vector.shape_cast %reduce_max3A_30 : vector<1024xf32> to vector<1024x1xf32>
    %eq3A_32 = vector.broadcast %broadcast_in_dim3A_31 : vector<1024x1xf32> to vector<1024x512xf32>
    %eq3A_33 = arith.cmpf oeq, %exp3A, %eq3A_32 : vector<1024x512xf32>
    %convert_element_type3A_34 = arith.extui %eq3A_33 : vector<1024x512xi1> to vector<1024x512xi32>
    %convert_element_type3A_35 = arith.sitofp %convert_element_type3A_34 : vector<1024x512xi32> to vector<1024x512xf32>
    %sub3A_36 = arith.constant 1.000000e+00 : f32
    %sub3A_37 = vector.broadcast %sub3A_36 : f32 to vector<1024x512xf32>
    %sub3A_38 = arith.subf %sub3A_37, %convert_element_type3A_35 : vector<1024x512xf32>
    %mul3A_39 = arith.mulf %exp3A, %sub3A_38 : vector<1024x512xf32>
    %sub3A_40 = arith.subf %broadcast_in_dim3A_21, %broadcast_in_dim3A_31 : vector<1024x1xf32>
    %div3A_41 = arith.constant 1.000000e+00 : f32
    %div3A_42 = vector.broadcast %div3A_41 : f32 to vector<1024x1xf32>
    %div3A_43 = arith.divf %div3A_42, %sub3A_40 : vector<1024x1xf32>
    %mul3A_44 = vector.broadcast %div3A_43 : vector<1024x1xf32> to vector<1024x512xf32>
    %mul3A_45 = arith.mulf %mul3A_39, %mul3A_44 : vector<1024x512xf32>
    %convert_element_type3A_46 = arith.truncf %mul3A_45 : vector<1024x512xf32> to vector<1024x512xbf16>
    %dot_general3A_47 = arith.constant dense<0.000000e+00> : vector<1024x128xf32>
    %dot_general3A_48 = tpu.matmul %convert_element_type3A_46, %get3A_9, %dot_general3A_47 {dimension_numbers = #tpu.dot_dimension_numbers<[1], [0], [0], [1], [0, 0, 1, 1], [], []>, transpose_lhs_hint = false} : vector<1024x512xbf16>, vector<512x128xbf16>, vector<1024x128xf32> -> vector<1024x128xf32>
    %reduce_max3A_49 = arith.constant dense<0xFF800000> : vector<1024xf32>
    %reduce_max3A_50 = vector.multi_reduction <maximumf>, %mul3A_39, %reduce_max3A_49 [1] : vector<1024x512xf32> to vector<1024xf32>
    %broadcast_in_dim3A_51 = vector.shape_cast %reduce_max3A_50 : vector<1024xf32> to vector<1024x1xf32>
    %eq3A_52 = vector.broadcast %broadcast_in_dim3A_51 : vector<1024x1xf32> to vector<1024x512xf32>
    %eq3A_53 = arith.cmpf oeq, %mul3A_39, %eq3A_52 : vector<1024x512xf32>
    %convert_element_type3A_54 = arith.extui %eq3A_53 : vector<1024x512xi1> to vector<1024x512xi32>
    %convert_element_type3A_55 = arith.sitofp %convert_element_type3A_54 : vector<1024x512xi32> to vector<1024x512xf32>
    %sub3A_56 = arith.constant 1.000000e+00 : f32
    %sub3A_57 = vector.broadcast %sub3A_56 : f32 to vector<1024x512xf32>
    %sub3A_58 = arith.subf %sub3A_57, %convert_element_type3A_55 : vector<1024x512xf32>
    %mul3A_59 = arith.mulf %mul3A_39, %sub3A_58 : vector<1024x512xf32>
    %sub3A_60 = arith.subf %sub3A_40, %broadcast_in_dim3A_51 : vector<1024x1xf32>
    %div3A_61 = arith.constant 1.000000e+00 : f32
    %div3A_62 = vector.broadcast %div3A_61 : f32 to vector<1024x1xf32>
    %div3A_63 = arith.divf %div3A_62, %sub3A_60 : vector<1024x1xf32>
    %mul3A_64 = vector.broadcast %div3A_63 : vector<1024x1xf32> to vector<1024x512xf32>
    %mul3A_65 = arith.mulf %mul3A_59, %mul3A_64 : vector<1024x512xf32>
    %convert_element_type3A_66 = arith.truncf %mul3A_65 : vector<1024x512xf32> to vector<1024x512xbf16>
    %dot_general3A_67 = arith.constant dense<0.000000e+00> : vector<1024x128xf32>
    %dot_general3A_68 = tpu.matmul %convert_element_type3A_66, %get3A_9, %dot_general3A_67 {dimension_numbers = #tpu.dot_dimension_numbers<[1], [0], [0], [1], [0, 0, 1, 1], [], []>, transpose_lhs_hint = false} : vector<1024x512xbf16>, vector<512x128xbf16>, vector<1024x128xf32> -> vector<1024x128xf32>
    %reduce_max3A_69 = arith.constant dense<0xFF800000> : vector<1024xf32>
    %reduce_max3A_70 = vector.multi_reduction <maximumf>, %mul3A_59, %reduce_max3A_69 [1] : vector<1024x512xf32> to vector<1024xf32>
    %broadcast_in_dim3A_71 = vector.shape_cast %reduce_max3A_70 : vector<1024xf32> to vector<1024x1xf32>
    %eq3A_72 = vector.broadcast %broadcast_in_dim3A_71 : vector<1024x1xf32> to vector<1024x512xf32>
    %eq3A_73 = arith.cmpf oeq, %mul3A_59, %eq3A_72 : vector<1024x512xf32>
    %convert_element_type3A_74 = arith.extui %eq3A_73 : vector<1024x512xi1> to vector<1024x512xi32>
    %convert_element_type3A_75 = arith.sitofp %convert_element_type3A_74 : vector<1024x512xi32> to vector<1024x512xf32>
    %sub3A_76 = arith.constant 1.000000e+00 : f32
    %sub3A_77 = vector.broadcast %sub3A_76 : f32 to vector<1024x512xf32>
    %sub3A_78 = arith.subf %sub3A_77, %convert_element_type3A_75 : vector<1024x512xf32>
    %mul3A_79 = arith.mulf %mul3A_59, %sub3A_78 : vector<1024x512xf32>
    %sub3A_80 = arith.subf %sub3A_60, %broadcast_in_dim3A_71 : vector<1024x1xf32>
    %div3A_81 = arith.constant 1.000000e+00 : f32
    %div3A_82 = vector.broadcast %div3A_81 : f32 to vector<1024x1xf32>
    %div3A_83 = arith.divf %div3A_82, %sub3A_80 : vector<1024x1xf32>
    %mul3A_84 = vector.broadcast %div3A_83 : vector<1024x1xf32> to vector<1024x512xf32>
    %mul3A_85 = arith.mulf %mul3A_79, %mul3A_84 : vector<1024x512xf32>
    %convert_element_type3A_86 = arith.truncf %mul3A_85 : vector<1024x512xf32> to vector<1024x512xbf16>
    %dot_general3A_87 = arith.constant dense<0.000000e+00> : vector<1024x128xf32>
    %dot_general3A_88 = tpu.matmul %convert_element_type3A_86, %get3A_9, %dot_general3A_87 {dimension_numbers = #tpu.dot_dimension_numbers<[1], [0], [0], [1], [0, 0, 1, 1], [], []>, transpose_lhs_hint = false} : vector<1024x512xbf16>, vector<512x128xbf16>, vector<1024x128xf32> -> vector<1024x128xf32>
    %get3A_89 = arith.constant 0 : index
    %get3A_90 = arith.constant 0 : index
    %get3A_91 = vector.load %arg2[%get3A_89, %get3A_90] : memref<1024x128xf32, #tpu.memory_space<vmem>>, vector<1024x128xf32>
    %get3A_92 = arith.constant 0 : index
    %get3A_93 = arith.constant 0 : index
    %get3A_94 = vector.load %arg4[%get3A_92, %get3A_93] : memref<512x128xf32, #tpu.memory_space<vmem>>, vector<512x128xf32>
    %get3A_95 = arith.constant 0 : index
    %get3A_96 = arith.constant 0 : index
    %get3A_97 = vector.load %arg11[%get3A_95, %get3A_96] : memref<512x128xbf16, #tpu.memory_space<vmem>>, vector<512x128xbf16>
    %get3A_98 = arith.constant 1 : index
    %get3A_99 = arith.constant 0 : index
    %get3A_100 = vector.load %arg9[%get3A_98, %get3A_99] : memref<8x512xf32, #tpu.memory_space<vmem>>, vector<1x512xf32>
    %dot_general3A_101 = arith.constant dense<0.000000e+00> : vector<1024x512xf32>
    %dot_general3A_102 = tpu.matmul %get3A_91, %get3A_94, %dot_general3A_101 {dimension_numbers = #tpu.dot_dimension_numbers<[1], [1], [0], [0], [0, 0, 1, 0], [], []>, precision = #tpu.contract_precision<fp32>, transpose_lhs_hint = false} : vector<1024x128xf32>, vector<512x128xf32>, vector<1024x512xf32> -> vector<1024x512xf32>
    %mul3A_103 = arith.constant 2.000000e+00 : f32
    %mul3A_104 = vector.broadcast %mul3A_103 : f32 to vector<1024x512xf32>
    %mul3A_105 = arith.mulf %mul3A_104, %dot_general3A_102 : vector<1024x512xf32>
    %sub3A_106 = vector.broadcast %get3A_100 : vector<1x512xf32> to vector<1024x512xf32>
    %sub3A_107 = arith.subf %mul3A_105, %sub3A_106 : vector<1024x512xf32>
    %reduce_max3A_108 = arith.constant dense<0xFF800000> : vector<1024xf32>
    %reduce_max3A_109 = vector.multi_reduction <maximumf>, %sub3A_107, %reduce_max3A_108 [1] : vector<1024x512xf32> to vector<1024xf32>
    %broadcast_in_dim3A_110 = vector.shape_cast %reduce_max3A_109 : vector<1024xf32> to vector<1024x1xf32>
    %sub3A_111 = vector.broadcast %broadcast_in_dim3A_110 : vector<1024x1xf32> to vector<1024x512xf32>
    %sub3A_112 = arith.subf %sub3A_107, %sub3A_111 : vector<1024x512xf32>
    %exp3A_113 = math.exp %sub3A_112 : vector<1024x512xf32>
    %reduce_sum3A_114 = arith.constant dense<0.000000e+00> : vector<1024xf32>
    %reduce_sum3A_115 = vector.multi_reduction <add>, %exp3A_113, %reduce_sum3A_114 [1] : vector<1024x512xf32> to vector<1024xf32>
    %broadcast_in_dim3A_116 = vector.shape_cast %reduce_sum3A_115 : vector<1024xf32> to vector<1024x1xf32>
    %div3A_117 = arith.constant 1.000000e+00 : f32
    %div3A_118 = vector.broadcast %div3A_117 : f32 to vector<1024x1xf32>
    %div3A_119 = arith.divf %div3A_118, %broadcast_in_dim3A_116 : vector<1024x1xf32>
    %mul3A_120 = vector.broadcast %div3A_119 : vector<1024x1xf32> to vector<1024x512xf32>
    %mul3A_121 = arith.mulf %exp3A_113, %mul3A_120 : vector<1024x512xf32>
    %convert_element_type3A_122 = arith.truncf %mul3A_121 : vector<1024x512xf32> to vector<1024x512xbf16>
    %dot_general3A_123 = arith.constant dense<0.000000e+00> : vector<1024x128xf32>
    %dot_general3A_124 = tpu.matmul %convert_element_type3A_122, %get3A_97, %dot_general3A_123 {dimension_numbers = #tpu.dot_dimension_numbers<[1], [0], [0], [1], [0, 0, 1, 1], [], []>, transpose_lhs_hint = false} : vector<1024x512xbf16>, vector<512x128xbf16>, vector<1024x128xf32> -> vector<1024x128xf32>
    %reduce_max3A_125 = arith.constant dense<0xFF800000> : vector<1024xf32>
    %reduce_max3A_126 = vector.multi_reduction <maximumf>, %exp3A_113, %reduce_max3A_125 [1] : vector<1024x512xf32> to vector<1024xf32>
    %broadcast_in_dim3A_127 = vector.shape_cast %reduce_max3A_126 : vector<1024xf32> to vector<1024x1xf32>
    %eq3A_128 = vector.broadcast %broadcast_in_dim3A_127 : vector<1024x1xf32> to vector<1024x512xf32>
    %eq3A_129 = arith.cmpf oeq, %exp3A_113, %eq3A_128 : vector<1024x512xf32>
    %convert_element_type3A_130 = arith.extui %eq3A_129 : vector<1024x512xi1> to vector<1024x512xi32>
    %convert_element_type3A_131 = arith.sitofp %convert_element_type3A_130 : vector<1024x512xi32> to vector<1024x512xf32>
    %sub3A_132 = arith.constant 1.000000e+00 : f32
    %sub3A_133 = vector.broadcast %sub3A_132 : f32 to vector<1024x512xf32>
    %sub3A_134 = arith.subf %sub3A_133, %convert_element_type3A_131 : vector<1024x512xf32>
    %mul3A_135 = arith.mulf %exp3A_113, %sub3A_134 : vector<1024x512xf32>
    %sub3A_136 = arith.subf %broadcast_in_dim3A_116, %broadcast_in_dim3A_127 : vector<1024x1xf32>
    %div3A_137 = arith.constant 1.000000e+00 : f32
    %div3A_138 = vector.broadcast %div3A_137 : f32 to vector<1024x1xf32>
    %div3A_139 = arith.divf %div3A_138, %sub3A_136 : vector<1024x1xf32>
    %mul3A_140 = vector.broadcast %div3A_139 : vector<1024x1xf32> to vector<1024x512xf32>
    %mul3A_141 = arith.mulf %mul3A_135, %mul3A_140 : vector<1024x512xf32>
    %convert_element_type3A_142 = arith.truncf %mul3A_141 : vector<1024x512xf32> to vector<1024x512xbf16>
    %dot_general3A_143 = arith.constant dense<0.000000e+00> : vector<1024x128xf32>
    %dot_general3A_144 = tpu.matmul %convert_element_type3A_142, %get3A_97, %dot_general3A_143 {dimension_numbers = #tpu.dot_dimension_numbers<[1], [0], [0], [1], [0, 0, 1, 1], [], []>, transpose_lhs_hint = false} : vector<1024x512xbf16>, vector<512x128xbf16>, vector<1024x128xf32> -> vector<1024x128xf32>
    %reduce_max3A_145 = arith.constant dense<0xFF800000> : vector<1024xf32>
    %reduce_max3A_146 = vector.multi_reduction <maximumf>, %mul3A_135, %reduce_max3A_145 [1] : vector<1024x512xf32> to vector<1024xf32>
    %broadcast_in_dim3A_147 = vector.shape_cast %reduce_max3A_146 : vector<1024xf32> to vector<1024x1xf32>
    %eq3A_148 = vector.broadcast %broadcast_in_dim3A_147 : vector<1024x1xf32> to vector<1024x512xf32>
    %eq3A_149 = arith.cmpf oeq, %mul3A_135, %eq3A_148 : vector<1024x512xf32>
    %convert_element_type3A_150 = arith.extui %eq3A_149 : vector<1024x512xi1> to vector<1024x512xi32>
    %convert_element_type3A_151 = arith.sitofp %convert_element_type3A_150 : vector<1024x512xi32> to vector<1024x512xf32>
    %sub3A_152 = arith.constant 1.000000e+00 : f32
    %sub3A_153 = vector.broadcast %sub3A_152 : f32 to vector<1024x512xf32>
    %sub3A_154 = arith.subf %sub3A_153, %convert_element_type3A_151 : vector<1024x512xf32>
    %mul3A_155 = arith.mulf %mul3A_135, %sub3A_154 : vector<1024x512xf32>
    %sub3A_156 = arith.subf %sub3A_136, %broadcast_in_dim3A_147 : vector<1024x1xf32>
    %div3A_157 = arith.constant 1.000000e+00 : f32
    %div3A_158 = vector.broadcast %div3A_157 : f32 to vector<1024x1xf32>
    %div3A_159 = arith.divf %div3A_158, %sub3A_156 : vector<1024x1xf32>
    %mul3A_160 = vector.broadcast %div3A_159 : vector<1024x1xf32> to vector<1024x512xf32>
    %mul3A_161 = arith.mulf %mul3A_155, %mul3A_160 : vector<1024x512xf32>
    %convert_element_type3A_162 = arith.truncf %mul3A_161 : vector<1024x512xf32> to vector<1024x512xbf16>
    %dot_general3A_163 = arith.constant dense<0.000000e+00> : vector<1024x128xf32>
    %dot_general3A_164 = tpu.matmul %convert_element_type3A_162, %get3A_97, %dot_general3A_163 {dimension_numbers = #tpu.dot_dimension_numbers<[1], [0], [0], [1], [0, 0, 1, 1], [], []>, transpose_lhs_hint = false} : vector<1024x512xbf16>, vector<512x128xbf16>, vector<1024x128xf32> -> vector<1024x128xf32>
    %reduce_max3A_165 = arith.constant dense<0xFF800000> : vector<1024xf32>
    %reduce_max3A_166 = vector.multi_reduction <maximumf>, %mul3A_155, %reduce_max3A_165 [1] : vector<1024x512xf32> to vector<1024xf32>
    %broadcast_in_dim3A_167 = vector.shape_cast %reduce_max3A_166 : vector<1024xf32> to vector<1024x1xf32>
    %eq3A_168 = vector.broadcast %broadcast_in_dim3A_167 : vector<1024x1xf32> to vector<1024x512xf32>
    %eq3A_169 = arith.cmpf oeq, %mul3A_155, %eq3A_168 : vector<1024x512xf32>
    %convert_element_type3A_170 = arith.extui %eq3A_169 : vector<1024x512xi1> to vector<1024x512xi32>
    %convert_element_type3A_171 = arith.sitofp %convert_element_type3A_170 : vector<1024x512xi32> to vector<1024x512xf32>
    %sub3A_172 = arith.constant 1.000000e+00 : f32
    %sub3A_173 = vector.broadcast %sub3A_172 : f32 to vector<1024x512xf32>
    %sub3A_174 = arith.subf %sub3A_173, %convert_element_type3A_171 : vector<1024x512xf32>
    %mul3A_175 = arith.mulf %mul3A_155, %sub3A_174 : vector<1024x512xf32>
    %sub3A_176 = arith.subf %sub3A_156, %broadcast_in_dim3A_167 : vector<1024x1xf32>
    %div3A_177 = arith.constant 1.000000e+00 : f32
    %div3A_178 = vector.broadcast %div3A_177 : f32 to vector<1024x1xf32>
    %div3A_179 = arith.divf %div3A_178, %sub3A_176 : vector<1024x1xf32>
    %mul3A_180 = vector.broadcast %div3A_179 : vector<1024x1xf32> to vector<1024x512xf32>
    %mul3A_181 = arith.mulf %mul3A_175, %mul3A_180 : vector<1024x512xf32>
    %convert_element_type3A_182 = arith.truncf %mul3A_181 : vector<1024x512xf32> to vector<1024x512xbf16>
    %dot_general3A_183 = arith.constant dense<0.000000e+00> : vector<1024x128xf32>
    %dot_general3A_184 = tpu.matmul %convert_element_type3A_182, %get3A_97, %dot_general3A_183 {dimension_numbers = #tpu.dot_dimension_numbers<[1], [0], [0], [1], [0, 0, 1, 1], [], []>, transpose_lhs_hint = false} : vector<1024x512xbf16>, vector<512x128xbf16>, vector<1024x128xf32> -> vector<1024x128xf32>
    %get3A_185 = arith.constant 0 : index
    %get3A_186 = arith.constant 0 : index
    %get3A_187 = vector.load %arg5[%get3A_185, %get3A_186] : memref<128x128xf32, #tpu.memory_space<vmem>>, vector<128x128xf32>
    %convert_element_type3A_188 = arith.truncf %get3A_187 : vector<128x128xf32> to vector<128x128xbf16>
    %get3A_189 = arith.constant 0 : index
    %get3A_190 = arith.constant 0 : index
    %get3A_191 = vector.load %arg6[%get3A_189, %get3A_190] : memref<128x128xf32, #tpu.memory_space<vmem>>, vector<128x128xf32>
    %convert_element_type3A_192 = arith.truncf %get3A_191 : vector<128x128xf32> to vector<128x128xbf16>
    %get3A_193 = arith.constant 0 : index
    %get3A_194 = arith.constant 0 : index
    %get3A_195 = vector.load %arg7[%get3A_193, %get3A_194] : memref<128x128xf32, #tpu.memory_space<vmem>>, vector<128x128xf32>
    %convert_element_type3A_196 = arith.truncf %get3A_195 : vector<128x128xf32> to vector<128x128xbf16>
    %convert_element_type3A_197 = arith.truncf %dot_general3A_124 : vector<1024x128xf32> to vector<1024x128xbf16>
    %dot_general3A_198 = arith.constant dense<0.000000e+00> : vector<1024x128xf32>
    %dot_general3A_199 = tpu.matmul %convert_element_type3A_197, %convert_element_type3A_188, %dot_general3A_198 {dimension_numbers = #tpu.dot_dimension_numbers<[1], [0], [0], [1], [0, 0, 1, 1], [], []>, transpose_lhs_hint = false} : vector<1024x128xbf16>, vector<128x128xbf16>, vector<1024x128xf32> -> vector<1024x128xf32>
    %convert_element_type3A_200 = arith.truncf %dot_general3A_144 : vector<1024x128xf32> to vector<1024x128xbf16>
    %dot_general3A_201 = arith.constant dense<0.000000e+00> : vector<1024x128xf32>
    %dot_general3A_202 = tpu.matmul %convert_element_type3A_200, %convert_element_type3A_188, %dot_general3A_201 {dimension_numbers = #tpu.dot_dimension_numbers<[1], [0], [0], [1], [0, 0, 1, 1], [], []>, transpose_lhs_hint = false} : vector<1024x128xbf16>, vector<128x128xbf16>, vector<1024x128xf32> -> vector<1024x128xf32>
    %convert_element_type3A_203 = arith.truncf %dot_general3A_164 : vector<1024x128xf32> to vector<1024x128xbf16>
    %dot_general3A_204 = arith.constant dense<0.000000e+00> : vector<1024x128xf32>
    %dot_general3A_205 = tpu.matmul %convert_element_type3A_203, %convert_element_type3A_188, %dot_general3A_204 {dimension_numbers = #tpu.dot_dimension_numbers<[1], [0], [0], [1], [0, 0, 1, 1], [], []>, transpose_lhs_hint = false} : vector<1024x128xbf16>, vector<128x128xbf16>, vector<1024x128xf32> -> vector<1024x128xf32>
    %convert_element_type3A_206 = arith.truncf %dot_general3A_184 : vector<1024x128xf32> to vector<1024x128xbf16>
    %dot_general3A_207 = arith.constant dense<0.000000e+00> : vector<1024x128xf32>
    %dot_general3A_208 = tpu.matmul %convert_element_type3A_206, %convert_element_type3A_188, %dot_general3A_207 {dimension_numbers = #tpu.dot_dimension_numbers<[1], [0], [0], [1], [0, 0, 1, 1], [], []>, transpose_lhs_hint = false} : vector<1024x128xbf16>, vector<128x128xbf16>, vector<1024x128xf32> -> vector<1024x128xf32>
    %convert_element_type3A_209 = arith.truncf %dot_general3A_28 : vector<1024x128xf32> to vector<1024x128xbf16>
    %dot_general3A_210 = arith.constant dense<0.000000e+00> : vector<1024x128xf32>
    %dot_general3A_211 = tpu.matmul %convert_element_type3A_209, %convert_element_type3A_192, %dot_general3A_210 {dimension_numbers = #tpu.dot_dimension_numbers<[1], [0], [0], [1], [0, 0, 1, 1], [], []>, transpose_lhs_hint = false} : vector<1024x128xbf16>, vector<128x128xbf16>, vector<1024x128xf32> -> vector<1024x128xf32>
    %convert_element_type3A_212 = arith.truncf %dot_general3A_48 : vector<1024x128xf32> to vector<1024x128xbf16>
    %dot_general3A_213 = arith.constant dense<0.000000e+00> : vector<1024x128xf32>
    %dot_general3A_214 = tpu.matmul %convert_element_type3A_212, %convert_element_type3A_192, %dot_general3A_213 {dimension_numbers = #tpu.dot_dimension_numbers<[1], [0], [0], [1], [0, 0, 1, 1], [], []>, transpose_lhs_hint = false} : vector<1024x128xbf16>, vector<128x128xbf16>, vector<1024x128xf32> -> vector<1024x128xf32>
    %convert_element_type3A_215 = arith.truncf %dot_general3A_68 : vector<1024x128xf32> to vector<1024x128xbf16>
    %dot_general3A_216 = arith.constant dense<0.000000e+00> : vector<1024x128xf32>
    %dot_general3A_217 = tpu.matmul %convert_element_type3A_215, %convert_element_type3A_192, %dot_general3A_216 {dimension_numbers = #tpu.dot_dimension_numbers<[1], [0], [0], [1], [0, 0, 1, 1], [], []>, transpose_lhs_hint = false} : vector<1024x128xbf16>, vector<128x128xbf16>, vector<1024x128xf32> -> vector<1024x128xf32>
    %convert_element_type3A_218 = arith.truncf %dot_general3A_88 : vector<1024x128xf32> to vector<1024x128xbf16>
    %dot_general3A_219 = arith.constant dense<0.000000e+00> : vector<1024x128xf32>
    %dot_general3A_220 = tpu.matmul %convert_element_type3A_218, %convert_element_type3A_192, %dot_general3A_219 {dimension_numbers = #tpu.dot_dimension_numbers<[1], [0], [0], [1], [0, 0, 1, 1], [], []>, transpose_lhs_hint = false} : vector<1024x128xbf16>, vector<128x128xbf16>, vector<1024x128xf32> -> vector<1024x128xf32>
    %convert_element_type3A_221 = arith.truncf %dot_general3A_28 : vector<1024x128xf32> to vector<1024x128xbf16>
    %dot_general3A_222 = arith.constant dense<0.000000e+00> : vector<1024x128xf32>
    %dot_general3A_223 = tpu.matmul %convert_element_type3A_221, %convert_element_type3A_196, %dot_general3A_222 {dimension_numbers = #tpu.dot_dimension_numbers<[1], [0], [0], [1], [0, 0, 1, 1], [], []>, transpose_lhs_hint = false} : vector<1024x128xbf16>, vector<128x128xbf16>, vector<1024x128xf32> -> vector<1024x128xf32>
    %convert_element_type3A_224 = arith.truncf %dot_general3A_48 : vector<1024x128xf32> to vector<1024x128xbf16>
    %dot_general3A_225 = arith.constant dense<0.000000e+00> : vector<1024x128xf32>
    %dot_general3A_226 = tpu.matmul %convert_element_type3A_224, %convert_element_type3A_196, %dot_general3A_225 {dimension_numbers = #tpu.dot_dimension_numbers<[1], [0], [0], [1], [0, 0, 1, 1], [], []>, transpose_lhs_hint = false} : vector<1024x128xbf16>, vector<128x128xbf16>, vector<1024x128xf32> -> vector<1024x128xf32>
    %convert_element_type3A_227 = arith.truncf %dot_general3A_68 : vector<1024x128xf32> to vector<1024x128xbf16>
    %dot_general3A_228 = arith.constant dense<0.000000e+00> : vector<1024x128xf32>
    %dot_general3A_229 = tpu.matmul %convert_element_type3A_227, %convert_element_type3A_196, %dot_general3A_228 {dimension_numbers = #tpu.dot_dimension_numbers<[1], [0], [0], [1], [0, 0, 1, 1], [], []>, transpose_lhs_hint = false} : vector<1024x128xbf16>, vector<128x128xbf16>, vector<1024x128xf32> -> vector<1024x128xf32>
    %convert_element_type3A_230 = arith.truncf %dot_general3A_88 : vector<1024x128xf32> to vector<1024x128xbf16>
    %dot_general3A_231 = arith.constant dense<0.000000e+00> : vector<1024x128xf32>
    %dot_general3A_232 = tpu.matmul %convert_element_type3A_230, %convert_element_type3A_196, %dot_general3A_231 {dimension_numbers = #tpu.dot_dimension_numbers<[1], [0], [0], [1], [0, 0, 1, 1], [], []>, transpose_lhs_hint = false} : vector<1024x128xbf16>, vector<128x128xbf16>, vector<1024x128xf32> -> vector<1024x128xf32>
    %convert_element_type3A_233 = arith.truncf %dot_general3A_199 : vector<1024x128xf32> to vector<1024x128xbf16>
    %convert_element_type3A_234 = arith.extf %convert_element_type3A_233 : vector<1024x128xbf16> to vector<1024x128xf32>
    %convert_element_type3A_235 = arith.truncf %dot_general3A_202 : vector<1024x128xf32> to vector<1024x128xbf16>
    %convert_element_type3A_236 = arith.extf %convert_element_type3A_235 : vector<1024x128xbf16> to vector<1024x128xf32>
    %convert_element_type3A_237 = arith.truncf %dot_general3A_205 : vector<1024x128xf32> to vector<1024x128xbf16>
    %convert_element_type3A_238 = arith.extf %convert_element_type3A_237 : vector<1024x128xbf16> to vector<1024x128xf32>
    %convert_element_type3A_239 = arith.truncf %dot_general3A_208 : vector<1024x128xf32> to vector<1024x128xbf16>
    %convert_element_type3A_240 = arith.extf %convert_element_type3A_239 : vector<1024x128xbf16> to vector<1024x128xf32>
    %convert_element_type3A_241 = arith.truncf %dot_general3A_211 : vector<1024x128xf32> to vector<1024x128xbf16>
    %convert_element_type3A_242 = arith.extf %convert_element_type3A_241 : vector<1024x128xbf16> to vector<1024x128xf32>
    %convert_element_type3A_243 = arith.truncf %dot_general3A_214 : vector<1024x128xf32> to vector<1024x128xbf16>
    %convert_element_type3A_244 = arith.extf %convert_element_type3A_243 : vector<1024x128xbf16> to vector<1024x128xf32>
    %convert_element_type3A_245 = arith.truncf %dot_general3A_217 : vector<1024x128xf32> to vector<1024x128xbf16>
    %convert_element_type3A_246 = arith.extf %convert_element_type3A_245 : vector<1024x128xbf16> to vector<1024x128xf32>
    %convert_element_type3A_247 = arith.truncf %dot_general3A_220 : vector<1024x128xf32> to vector<1024x128xbf16>
    %convert_element_type3A_248 = arith.extf %convert_element_type3A_247 : vector<1024x128xbf16> to vector<1024x128xf32>
    %convert_element_type3A_249 = arith.truncf %dot_general3A_223 : vector<1024x128xf32> to vector<1024x128xbf16>
    %convert_element_type3A_250 = arith.extf %convert_element_type3A_249 : vector<1024x128xbf16> to vector<1024x128xf32>
    %convert_element_type3A_251 = arith.truncf %dot_general3A_226 : vector<1024x128xf32> to vector<1024x128xbf16>
    %convert_element_type3A_252 = arith.extf %convert_element_type3A_251 : vector<1024x128xbf16> to vector<1024x128xf32>
    %convert_element_type3A_253 = arith.truncf %dot_general3A_229 : vector<1024x128xf32> to vector<1024x128xbf16>
    %convert_element_type3A_254 = arith.extf %convert_element_type3A_253 : vector<1024x128xbf16> to vector<1024x128xf32>
    %convert_element_type3A_255 = arith.truncf %dot_general3A_232 : vector<1024x128xf32> to vector<1024x128xbf16>
    %convert_element_type3A_256 = arith.extf %convert_element_type3A_255 : vector<1024x128xbf16> to vector<1024x128xf32>
    %rsqrt3A = arith.constant 1.280000e+02 : f32
    %rsqrt3A_257 = math.rsqrt %rsqrt3A : f32
    %mul3A_258 = arith.mulf %convert_element_type3A_234, %convert_element_type3A_242 : vector<1024x128xf32>
    %reduce_sum3A_259 = arith.constant dense<0.000000e+00> : vector<1024xf32>
    %reduce_sum3A_260 = vector.multi_reduction <add>, %mul3A_258, %reduce_sum3A_259 [1] : vector<1024x128xf32> to vector<1024xf32>
    %broadcast_in_dim3A_261 = vector.shape_cast %reduce_sum3A_260 : vector<1024xf32> to vector<1024x1xf32>
    %mul3A_262 = vector.broadcast %rsqrt3A_257 : f32 to vector<1024x1xf32>
    %mul3A_263 = arith.mulf %broadcast_in_dim3A_261, %mul3A_262 : vector<1024x1xf32>
    %mul3A_264 = arith.mulf %convert_element_type3A_234, %convert_element_type3A_244 : vector<1024x128xf32>
    %reduce_sum3A_265 = arith.constant dense<0.000000e+00> : vector<1024xf32>
    %reduce_sum3A_266 = vector.multi_reduction <add>, %mul3A_264, %reduce_sum3A_265 [1] : vector<1024x128xf32> to vector<1024xf32>
    %broadcast_in_dim3A_267 = vector.shape_cast %reduce_sum3A_266 : vector<1024xf32> to vector<1024x1xf32>
    %mul3A_268 = vector.broadcast %rsqrt3A_257 : f32 to vector<1024x1xf32>
    %mul3A_269 = arith.mulf %broadcast_in_dim3A_267, %mul3A_268 : vector<1024x1xf32>
    %mul3A_270 = arith.mulf %convert_element_type3A_234, %convert_element_type3A_246 : vector<1024x128xf32>
    %reduce_sum3A_271 = arith.constant dense<0.000000e+00> : vector<1024xf32>
    %reduce_sum3A_272 = vector.multi_reduction <add>, %mul3A_270, %reduce_sum3A_271 [1] : vector<1024x128xf32> to vector<1024xf32>
    %broadcast_in_dim3A_273 = vector.shape_cast %reduce_sum3A_272 : vector<1024xf32> to vector<1024x1xf32>
    %mul3A_274 = vector.broadcast %rsqrt3A_257 : f32 to vector<1024x1xf32>
    %mul3A_275 = arith.mulf %broadcast_in_dim3A_273, %mul3A_274 : vector<1024x1xf32>
    %mul3A_276 = arith.mulf %convert_element_type3A_234, %convert_element_type3A_248 : vector<1024x128xf32>
    %reduce_sum3A_277 = arith.constant dense<0.000000e+00> : vector<1024xf32>
    %reduce_sum3A_278 = vector.multi_reduction <add>, %mul3A_276, %reduce_sum3A_277 [1] : vector<1024x128xf32> to vector<1024xf32>
    %broadcast_in_dim3A_279 = vector.shape_cast %reduce_sum3A_278 : vector<1024xf32> to vector<1024x1xf32>
    %mul3A_280 = vector.broadcast %rsqrt3A_257 : f32 to vector<1024x1xf32>
    %mul3A_281 = arith.mulf %broadcast_in_dim3A_279, %mul3A_280 : vector<1024x1xf32>
    %exp3A_282 = math.exp %mul3A_263 : vector<1024x1xf32>
    %exp3A_283 = math.exp %mul3A_269 : vector<1024x1xf32>
    %exp3A_284 = math.exp %mul3A_275 : vector<1024x1xf32>
    %exp3A_285 = math.exp %mul3A_281 : vector<1024x1xf32>
    %add3A = arith.addf %exp3A_282, %exp3A_283 : vector<1024x1xf32>
    %add3A_286 = arith.addf %add3A, %exp3A_284 : vector<1024x1xf32>
    %add3A_287 = arith.addf %add3A_286, %exp3A_285 : vector<1024x1xf32>
    %div3A_288 = arith.constant 1.000000e+00 : f32
    %div3A_289 = vector.broadcast %div3A_288 : f32 to vector<1024x1xf32>
    %div3A_290 = arith.divf %div3A_289, %add3A_287 : vector<1024x1xf32>
    %mul3A_291 = arith.mulf %exp3A_282, %div3A_290 : vector<1024x1xf32>
    %convert_element_type3A_292 = arith.truncf %mul3A_291 : vector<1024x1xf32> to vector<1024x1xbf16>
    %convert_element_type3A_293 = arith.extf %convert_element_type3A_292 : vector<1024x1xbf16> to vector<1024x1xf32>
    %mul3A_294 = vector.broadcast %convert_element_type3A_293 : vector<1024x1xf32> to vector<1024x128xf32>
    %mul3A_295 = arith.mulf %mul3A_294, %convert_element_type3A_250 : vector<1024x128xf32>
    %mul3A_296 = arith.mulf %exp3A_283, %div3A_290 : vector<1024x1xf32>
    %convert_element_type3A_297 = arith.truncf %mul3A_296 : vector<1024x1xf32> to vector<1024x1xbf16>
    %convert_element_type3A_298 = arith.extf %convert_element_type3A_297 : vector<1024x1xbf16> to vector<1024x1xf32>
    %mul3A_299 = vector.broadcast %convert_element_type3A_298 : vector<1024x1xf32> to vector<1024x128xf32>
    %mul3A_300 = arith.mulf %mul3A_299, %convert_element_type3A_252 : vector<1024x128xf32>
    %add3A_301 = arith.addf %mul3A_295, %mul3A_300 : vector<1024x128xf32>
    %mul3A_302 = arith.mulf %exp3A_284, %div3A_290 : vector<1024x1xf32>
    %convert_element_type3A_303 = arith.truncf %mul3A_302 : vector<1024x1xf32> to vector<1024x1xbf16>
    %convert_element_type3A_304 = arith.extf %convert_element_type3A_303 : vector<1024x1xbf16> to vector<1024x1xf32>
    %mul3A_305 = vector.broadcast %convert_element_type3A_304 : vector<1024x1xf32> to vector<1024x128xf32>
    %mul3A_306 = arith.mulf %mul3A_305, %convert_element_type3A_254 : vector<1024x128xf32>
    %add3A_307 = arith.addf %add3A_301, %mul3A_306 : vector<1024x128xf32>
    %mul3A_308 = arith.mulf %exp3A_285, %div3A_290 : vector<1024x1xf32>
    %convert_element_type3A_309 = arith.truncf %mul3A_308 : vector<1024x1xf32> to vector<1024x1xbf16>
    %convert_element_type3A_310 = arith.extf %convert_element_type3A_309 : vector<1024x1xbf16> to vector<1024x1xf32>
    %mul3A_311 = vector.broadcast %convert_element_type3A_310 : vector<1024x1xf32> to vector<1024x128xf32>
    %mul3A_312 = arith.mulf %mul3A_311, %convert_element_type3A_256 : vector<1024x128xf32>
    %add3A_313 = arith.addf %add3A_307, %mul3A_312 : vector<1024x128xf32>
    %mul3A_314 = arith.mulf %add3A_313, %dot_general3A_124 : vector<1024x128xf32>
    %reduce_sum3A_315 = arith.constant dense<0.000000e+00> : vector<1024xf32>
    %reduce_sum3A_316 = vector.multi_reduction <add>, %mul3A_314, %reduce_sum3A_315 [1] : vector<1024x128xf32> to vector<1024xf32>
    %mul3A_317 = arith.mulf %convert_element_type3A_236, %convert_element_type3A_242 : vector<1024x128xf32>
    %reduce_sum3A_318 = arith.constant dense<0.000000e+00> : vector<1024xf32>
    %reduce_sum3A_319 = vector.multi_reduction <add>, %mul3A_317, %reduce_sum3A_318 [1] : vector<1024x128xf32> to vector<1024xf32>
    %broadcast_in_dim3A_320 = vector.shape_cast %reduce_sum3A_319 : vector<1024xf32> to vector<1024x1xf32>
    %mul3A_321 = vector.broadcast %rsqrt3A_257 : f32 to vector<1024x1xf32>
    %mul3A_322 = arith.mulf %broadcast_in_dim3A_320, %mul3A_321 : vector<1024x1xf32>
    %mul3A_323 = arith.mulf %convert_element_type3A_236, %convert_element_type3A_244 : vector<1024x128xf32>
    %reduce_sum3A_324 = arith.constant dense<0.000000e+00> : vector<1024xf32>
    %reduce_sum3A_325 = vector.multi_reduction <add>, %mul3A_323, %reduce_sum3A_324 [1] : vector<1024x128xf32> to vector<1024xf32>
    %broadcast_in_dim3A_326 = vector.shape_cast %reduce_sum3A_325 : vector<1024xf32> to vector<1024x1xf32>
    %mul3A_327 = vector.broadcast %rsqrt3A_257 : f32 to vector<1024x1xf32>
    %mul3A_328 = arith.mulf %broadcast_in_dim3A_326, %mul3A_327 : vector<1024x1xf32>
    %mul3A_329 = arith.mulf %convert_element_type3A_236, %convert_element_type3A_246 : vector<1024x128xf32>
    %reduce_sum3A_330 = arith.constant dense<0.000000e+00> : vector<1024xf32>
    %reduce_sum3A_331 = vector.multi_reduction <add>, %mul3A_329, %reduce_sum3A_330 [1] : vector<1024x128xf32> to vector<1024xf32>
    %broadcast_in_dim3A_332 = vector.shape_cast %reduce_sum3A_331 : vector<1024xf32> to vector<1024x1xf32>
    %mul3A_333 = vector.broadcast %rsqrt3A_257 : f32 to vector<1024x1xf32>
    %mul3A_334 = arith.mulf %broadcast_in_dim3A_332, %mul3A_333 : vector<1024x1xf32>
    %mul3A_335 = arith.mulf %convert_element_type3A_236, %convert_element_type3A_248 : vector<1024x128xf32>
    %reduce_sum3A_336 = arith.constant dense<0.000000e+00> : vector<1024xf32>
    %reduce_sum3A_337 = vector.multi_reduction <add>, %mul3A_335, %reduce_sum3A_336 [1] : vector<1024x128xf32> to vector<1024xf32>
    %broadcast_in_dim3A_338 = vector.shape_cast %reduce_sum3A_337 : vector<1024xf32> to vector<1024x1xf32>
    %mul3A_339 = vector.broadcast %rsqrt3A_257 : f32 to vector<1024x1xf32>
    %mul3A_340 = arith.mulf %broadcast_in_dim3A_338, %mul3A_339 : vector<1024x1xf32>
    %exp3A_341 = math.exp %mul3A_322 : vector<1024x1xf32>
    %exp3A_342 = math.exp %mul3A_328 : vector<1024x1xf32>
    %exp3A_343 = math.exp %mul3A_334 : vector<1024x1xf32>
    %exp3A_344 = math.exp %mul3A_340 : vector<1024x1xf32>
    %add3A_345 = arith.addf %exp3A_341, %exp3A_342 : vector<1024x1xf32>
    %add3A_346 = arith.addf %add3A_345, %exp3A_343 : vector<1024x1xf32>
    %add3A_347 = arith.addf %add3A_346, %exp3A_344 : vector<1024x1xf32>
    %div3A_348 = arith.constant 1.000000e+00 : f32
    %div3A_349 = vector.broadcast %div3A_348 : f32 to vector<1024x1xf32>
    %div3A_350 = arith.divf %div3A_349, %add3A_347 : vector<1024x1xf32>
    %mul3A_351 = arith.mulf %exp3A_341, %div3A_350 : vector<1024x1xf32>
    %convert_element_type3A_352 = arith.truncf %mul3A_351 : vector<1024x1xf32> to vector<1024x1xbf16>
    %convert_element_type3A_353 = arith.extf %convert_element_type3A_352 : vector<1024x1xbf16> to vector<1024x1xf32>
    %mul3A_354 = vector.broadcast %convert_element_type3A_353 : vector<1024x1xf32> to vector<1024x128xf32>
    %mul3A_355 = arith.mulf %mul3A_354, %convert_element_type3A_250 : vector<1024x128xf32>
    %mul3A_356 = arith.mulf %exp3A_342, %div3A_350 : vector<1024x1xf32>
    %convert_element_type3A_357 = arith.truncf %mul3A_356 : vector<1024x1xf32> to vector<1024x1xbf16>
    %convert_element_type3A_358 = arith.extf %convert_element_type3A_357 : vector<1024x1xbf16> to vector<1024x1xf32>
    %mul3A_359 = vector.broadcast %convert_element_type3A_358 : vector<1024x1xf32> to vector<1024x128xf32>
    %mul3A_360 = arith.mulf %mul3A_359, %convert_element_type3A_252 : vector<1024x128xf32>
    %add3A_361 = arith.addf %mul3A_355, %mul3A_360 : vector<1024x128xf32>
    %mul3A_362 = arith.mulf %exp3A_343, %div3A_350 : vector<1024x1xf32>
    %convert_element_type3A_363 = arith.truncf %mul3A_362 : vector<1024x1xf32> to vector<1024x1xbf16>
    %convert_element_type3A_364 = arith.extf %convert_element_type3A_363 : vector<1024x1xbf16> to vector<1024x1xf32>
    %mul3A_365 = vector.broadcast %convert_element_type3A_364 : vector<1024x1xf32> to vector<1024x128xf32>
    %mul3A_366 = arith.mulf %mul3A_365, %convert_element_type3A_254 : vector<1024x128xf32>
    %add3A_367 = arith.addf %add3A_361, %mul3A_366 : vector<1024x128xf32>
    %mul3A_368 = arith.mulf %exp3A_344, %div3A_350 : vector<1024x1xf32>
    %convert_element_type3A_369 = arith.truncf %mul3A_368 : vector<1024x1xf32> to vector<1024x1xbf16>
    %convert_element_type3A_370 = arith.extf %convert_element_type3A_369 : vector<1024x1xbf16> to vector<1024x1xf32>
    %mul3A_371 = vector.broadcast %convert_element_type3A_370 : vector<1024x1xf32> to vector<1024x128xf32>
    %mul3A_372 = arith.mulf %mul3A_371, %convert_element_type3A_256 : vector<1024x128xf32>
    %add3A_373 = arith.addf %add3A_367, %mul3A_372 : vector<1024x128xf32>
    %mul3A_374 = arith.mulf %add3A_373, %dot_general3A_144 : vector<1024x128xf32>
    %reduce_sum3A_375 = arith.constant dense<0.000000e+00> : vector<1024xf32>
    %reduce_sum3A_376 = vector.multi_reduction <add>, %mul3A_374, %reduce_sum3A_375 [1] : vector<1024x128xf32> to vector<1024xf32>
    %add3A_377 = arith.addf %reduce_sum3A_316, %reduce_sum3A_376 : vector<1024xf32>
    %mul3A_378 = arith.mulf %convert_element_type3A_238, %convert_element_type3A_242 : vector<1024x128xf32>
    %reduce_sum3A_379 = arith.constant dense<0.000000e+00> : vector<1024xf32>
    %reduce_sum3A_380 = vector.multi_reduction <add>, %mul3A_378, %reduce_sum3A_379 [1] : vector<1024x128xf32> to vector<1024xf32>
    %broadcast_in_dim3A_381 = vector.shape_cast %reduce_sum3A_380 : vector<1024xf32> to vector<1024x1xf32>
    %mul3A_382 = vector.broadcast %rsqrt3A_257 : f32 to vector<1024x1xf32>
    %mul3A_383 = arith.mulf %broadcast_in_dim3A_381, %mul3A_382 : vector<1024x1xf32>
    %mul3A_384 = arith.mulf %convert_element_type3A_238, %convert_element_type3A_244 : vector<1024x128xf32>
    %reduce_sum3A_385 = arith.constant dense<0.000000e+00> : vector<1024xf32>
    %reduce_sum3A_386 = vector.multi_reduction <add>, %mul3A_384, %reduce_sum3A_385 [1] : vector<1024x128xf32> to vector<1024xf32>
    %broadcast_in_dim3A_387 = vector.shape_cast %reduce_sum3A_386 : vector<1024xf32> to vector<1024x1xf32>
    %mul3A_388 = vector.broadcast %rsqrt3A_257 : f32 to vector<1024x1xf32>
    %mul3A_389 = arith.mulf %broadcast_in_dim3A_387, %mul3A_388 : vector<1024x1xf32>
    %mul3A_390 = arith.mulf %convert_element_type3A_238, %convert_element_type3A_246 : vector<1024x128xf32>
    %reduce_sum3A_391 = arith.constant dense<0.000000e+00> : vector<1024xf32>
    %reduce_sum3A_392 = vector.multi_reduction <add>, %mul3A_390, %reduce_sum3A_391 [1] : vector<1024x128xf32> to vector<1024xf32>
    %broadcast_in_dim3A_393 = vector.shape_cast %reduce_sum3A_392 : vector<1024xf32> to vector<1024x1xf32>
    %mul3A_394 = vector.broadcast %rsqrt3A_257 : f32 to vector<1024x1xf32>
    %mul3A_395 = arith.mulf %broadcast_in_dim3A_393, %mul3A_394 : vector<1024x1xf32>
    %mul3A_396 = arith.mulf %convert_element_type3A_238, %convert_element_type3A_248 : vector<1024x128xf32>
    %reduce_sum3A_397 = arith.constant dense<0.000000e+00> : vector<1024xf32>
    %reduce_sum3A_398 = vector.multi_reduction <add>, %mul3A_396, %reduce_sum3A_397 [1] : vector<1024x128xf32> to vector<1024xf32>
    %broadcast_in_dim3A_399 = vector.shape_cast %reduce_sum3A_398 : vector<1024xf32> to vector<1024x1xf32>
    %mul3A_400 = vector.broadcast %rsqrt3A_257 : f32 to vector<1024x1xf32>
    %mul3A_401 = arith.mulf %broadcast_in_dim3A_399, %mul3A_400 : vector<1024x1xf32>
    %exp3A_402 = math.exp %mul3A_383 : vector<1024x1xf32>
    %exp3A_403 = math.exp %mul3A_389 : vector<1024x1xf32>
    %exp3A_404 = math.exp %mul3A_395 : vector<1024x1xf32>
    %exp3A_405 = math.exp %mul3A_401 : vector<1024x1xf32>
    %add3A_406 = arith.addf %exp3A_402, %exp3A_403 : vector<1024x1xf32>
    %add3A_407 = arith.addf %add3A_406, %exp3A_404 : vector<1024x1xf32>
    %add3A_408 = arith.addf %add3A_407, %exp3A_405 : vector<1024x1xf32>
    %div3A_409 = arith.constant 1.000000e+00 : f32
    %div3A_410 = vector.broadcast %div3A_409 : f32 to vector<1024x1xf32>
    %div3A_411 = arith.divf %div3A_410, %add3A_408 : vector<1024x1xf32>
    %mul3A_412 = arith.mulf %exp3A_402, %div3A_411 : vector<1024x1xf32>
    %convert_element_type3A_413 = arith.truncf %mul3A_412 : vector<1024x1xf32> to vector<1024x1xbf16>
    %convert_element_type3A_414 = arith.extf %convert_element_type3A_413 : vector<1024x1xbf16> to vector<1024x1xf32>
    %mul3A_415 = vector.broadcast %convert_element_type3A_414 : vector<1024x1xf32> to vector<1024x128xf32>
    %mul3A_416 = arith.mulf %mul3A_415, %convert_element_type3A_250 : vector<1024x128xf32>
    %mul3A_417 = arith.mulf %exp3A_403, %div3A_411 : vector<1024x1xf32>
    %convert_element_type3A_418 = arith.truncf %mul3A_417 : vector<1024x1xf32> to vector<1024x1xbf16>
    %convert_element_type3A_419 = arith.extf %convert_element_type3A_418 : vector<1024x1xbf16> to vector<1024x1xf32>
    %mul3A_420 = vector.broadcast %convert_element_type3A_419 : vector<1024x1xf32> to vector<1024x128xf32>
    %mul3A_421 = arith.mulf %mul3A_420, %convert_element_type3A_252 : vector<1024x128xf32>
    %add3A_422 = arith.addf %mul3A_416, %mul3A_421 : vector<1024x128xf32>
    %mul3A_423 = arith.mulf %exp3A_404, %div3A_411 : vector<1024x1xf32>
    %convert_element_type3A_424 = arith.truncf %mul3A_423 : vector<1024x1xf32> to vector<1024x1xbf16>
    %convert_element_type3A_425 = arith.extf %convert_element_type3A_424 : vector<1024x1xbf16> to vector<1024x1xf32>
    %mul3A_426 = vector.broadcast %convert_element_type3A_425 : vector<1024x1xf32> to vector<1024x128xf32>
    %mul3A_427 = arith.mulf %mul3A_426, %convert_element_type3A_254 : vector<1024x128xf32>
    %add3A_428 = arith.addf %add3A_422, %mul3A_427 : vector<1024x128xf32>
    %mul3A_429 = arith.mulf %exp3A_405, %div3A_411 : vector<1024x1xf32>
    %convert_element_type3A_430 = arith.truncf %mul3A_429 : vector<1024x1xf32> to vector<1024x1xbf16>
    %convert_element_type3A_431 = arith.extf %convert_element_type3A_430 : vector<1024x1xbf16> to vector<1024x1xf32>
    %mul3A_432 = vector.broadcast %convert_element_type3A_431 : vector<1024x1xf32> to vector<1024x128xf32>
    %mul3A_433 = arith.mulf %mul3A_432, %convert_element_type3A_256 : vector<1024x128xf32>
    %add3A_434 = arith.addf %add3A_428, %mul3A_433 : vector<1024x128xf32>
    %mul3A_435 = arith.mulf %add3A_434, %dot_general3A_164 : vector<1024x128xf32>
    %reduce_sum3A_436 = arith.constant dense<0.000000e+00> : vector<1024xf32>
    %reduce_sum3A_437 = vector.multi_reduction <add>, %mul3A_435, %reduce_sum3A_436 [1] : vector<1024x128xf32> to vector<1024xf32>
    %add3A_438 = arith.addf %add3A_377, %reduce_sum3A_437 : vector<1024xf32>
    %mul3A_439 = arith.mulf %convert_element_type3A_240, %convert_element_type3A_242 : vector<1024x128xf32>
    %reduce_sum3A_440 = arith.constant dense<0.000000e+00> : vector<1024xf32>
    %reduce_sum3A_441 = vector.multi_reduction <add>, %mul3A_439, %reduce_sum3A_440 [1] : vector<1024x128xf32> to vector<1024xf32>
    %broadcast_in_dim3A_442 = vector.shape_cast %reduce_sum3A_441 : vector<1024xf32> to vector<1024x1xf32>
    %mul3A_443 = vector.broadcast %rsqrt3A_257 : f32 to vector<1024x1xf32>
    %mul3A_444 = arith.mulf %broadcast_in_dim3A_442, %mul3A_443 : vector<1024x1xf32>
    %mul3A_445 = arith.mulf %convert_element_type3A_240, %convert_element_type3A_244 : vector<1024x128xf32>
    %reduce_sum3A_446 = arith.constant dense<0.000000e+00> : vector<1024xf32>
    %reduce_sum3A_447 = vector.multi_reduction <add>, %mul3A_445, %reduce_sum3A_446 [1] : vector<1024x128xf32> to vector<1024xf32>
    %broadcast_in_dim3A_448 = vector.shape_cast %reduce_sum3A_447 : vector<1024xf32> to vector<1024x1xf32>
    %mul3A_449 = vector.broadcast %rsqrt3A_257 : f32 to vector<1024x1xf32>
    %mul3A_450 = arith.mulf %broadcast_in_dim3A_448, %mul3A_449 : vector<1024x1xf32>
    %mul3A_451 = arith.mulf %convert_element_type3A_240, %convert_element_type3A_246 : vector<1024x128xf32>
    %reduce_sum3A_452 = arith.constant dense<0.000000e+00> : vector<1024xf32>
    %reduce_sum3A_453 = vector.multi_reduction <add>, %mul3A_451, %reduce_sum3A_452 [1] : vector<1024x128xf32> to vector<1024xf32>
    %broadcast_in_dim3A_454 = vector.shape_cast %reduce_sum3A_453 : vector<1024xf32> to vector<1024x1xf32>
    %mul3A_455 = vector.broadcast %rsqrt3A_257 : f32 to vector<1024x1xf32>
    %mul3A_456 = arith.mulf %broadcast_in_dim3A_454, %mul3A_455 : vector<1024x1xf32>
    %mul3A_457 = arith.mulf %convert_element_type3A_240, %convert_element_type3A_248 : vector<1024x128xf32>
    %reduce_sum3A_458 = arith.constant dense<0.000000e+00> : vector<1024xf32>
    %reduce_sum3A_459 = vector.multi_reduction <add>, %mul3A_457, %reduce_sum3A_458 [1] : vector<1024x128xf32> to vector<1024xf32>
    %broadcast_in_dim3A_460 = vector.shape_cast %reduce_sum3A_459 : vector<1024xf32> to vector<1024x1xf32>
    %mul3A_461 = vector.broadcast %rsqrt3A_257 : f32 to vector<1024x1xf32>
    %mul3A_462 = arith.mulf %broadcast_in_dim3A_460, %mul3A_461 : vector<1024x1xf32>
    %exp3A_463 = math.exp %mul3A_444 : vector<1024x1xf32>
    %exp3A_464 = math.exp %mul3A_450 : vector<1024x1xf32>
    %exp3A_465 = math.exp %mul3A_456 : vector<1024x1xf32>
    %exp3A_466 = math.exp %mul3A_462 : vector<1024x1xf32>
    %add3A_467 = arith.addf %exp3A_463, %exp3A_464 : vector<1024x1xf32>
    %add3A_468 = arith.addf %add3A_467, %exp3A_465 : vector<1024x1xf32>
    %add3A_469 = arith.addf %add3A_468, %exp3A_466 : vector<1024x1xf32>
    %div3A_470 = arith.constant 1.000000e+00 : f32
    %div3A_471 = vector.broadcast %div3A_470 : f32 to vector<1024x1xf32>
    %div3A_472 = arith.divf %div3A_471, %add3A_469 : vector<1024x1xf32>
    %mul3A_473 = arith.mulf %exp3A_463, %div3A_472 : vector<1024x1xf32>
    %convert_element_type3A_474 = arith.truncf %mul3A_473 : vector<1024x1xf32> to vector<1024x1xbf16>
    %convert_element_type3A_475 = arith.extf %convert_element_type3A_474 : vector<1024x1xbf16> to vector<1024x1xf32>
    %mul3A_476 = vector.broadcast %convert_element_type3A_475 : vector<1024x1xf32> to vector<1024x128xf32>
    %mul3A_477 = arith.mulf %mul3A_476, %convert_element_type3A_250 : vector<1024x128xf32>
    %mul3A_478 = arith.mulf %exp3A_464, %div3A_472 : vector<1024x1xf32>
    %convert_element_type3A_479 = arith.truncf %mul3A_478 : vector<1024x1xf32> to vector<1024x1xbf16>
    %convert_element_type3A_480 = arith.extf %convert_element_type3A_479 : vector<1024x1xbf16> to vector<1024x1xf32>
    %mul3A_481 = vector.broadcast %convert_element_type3A_480 : vector<1024x1xf32> to vector<1024x128xf32>
    %mul3A_482 = arith.mulf %mul3A_481, %convert_element_type3A_252 : vector<1024x128xf32>
    %add3A_483 = arith.addf %mul3A_477, %mul3A_482 : vector<1024x128xf32>
    %mul3A_484 = arith.mulf %exp3A_465, %div3A_472 : vector<1024x1xf32>
    %convert_element_type3A_485 = arith.truncf %mul3A_484 : vector<1024x1xf32> to vector<1024x1xbf16>
    %convert_element_type3A_486 = arith.extf %convert_element_type3A_485 : vector<1024x1xbf16> to vector<1024x1xf32>
    %mul3A_487 = vector.broadcast %convert_element_type3A_486 : vector<1024x1xf32> to vector<1024x128xf32>
    %mul3A_488 = arith.mulf %mul3A_487, %convert_element_type3A_254 : vector<1024x128xf32>
    %add3A_489 = arith.addf %add3A_483, %mul3A_488 : vector<1024x128xf32>
    %mul3A_490 = arith.mulf %exp3A_466, %div3A_472 : vector<1024x1xf32>
    %convert_element_type3A_491 = arith.truncf %mul3A_490 : vector<1024x1xf32> to vector<1024x1xbf16>
    %convert_element_type3A_492 = arith.extf %convert_element_type3A_491 : vector<1024x1xbf16> to vector<1024x1xf32>
    %mul3A_493 = vector.broadcast %convert_element_type3A_492 : vector<1024x1xf32> to vector<1024x128xf32>
    %mul3A_494 = arith.mulf %mul3A_493, %convert_element_type3A_256 : vector<1024x128xf32>
    %add3A_495 = arith.addf %add3A_489, %mul3A_494 : vector<1024x128xf32>
    %mul3A_496 = arith.mulf %add3A_495, %dot_general3A_184 : vector<1024x128xf32>
    %reduce_sum3A_497 = arith.constant dense<0.000000e+00> : vector<1024xf32>
    %reduce_sum3A_498 = vector.multi_reduction <add>, %mul3A_496, %reduce_sum3A_497 [1] : vector<1024x128xf32> to vector<1024xf32>
    %add3A_499 = arith.addf %add3A_438, %reduce_sum3A_498 : vector<1024xf32>
    %mul3A_500 = arith.constant 2.500000e-01 : f32
    %mul3A_501 = vector.broadcast %mul3A_500 : f32 to vector<1024xf32>
    %mul3A_502 = arith.mulf %add3A_499, %mul3A_501 : vector<1024xf32>
    %swap3A = arith.constant 0 : index
    %swap3A_503 = arith.constant 0 : index
    %swap3A_504 = arith.constant 0 : index
    %swap3A_505 = vector.load %arg8[%swap3A, %swap3A_503, %swap3A_504] : memref<1x1x1024xf32, #tpu.memory_space<vmem>>, vector<1x1x1024xf32>
    %swap3A_506 = vector.shape_cast %swap3A_505 : vector<1x1x1024xf32> to vector<1024xf32>
    %swap3A_507 = vector.shape_cast %mul3A_502 : vector<1024xf32> to vector<1x1x1024xf32>
    tpu.vector_store %arg8[%swap3A, %swap3A_503, %swap3A_504], %swap3A_507 {strides = array<i32>} : memref<1x1x1024xf32, #tpu.memory_space<vmem>>, vector<1x1x1024xf32>,
    return
  }
  func.func @transform_0(%arg0: i32) -> (i32, i32) {
    %c0_i32 = arith.constant 0 : i32
    %c0_i32_0 = arith.constant 0 : i32
    return %arg0, %c0_i32 : i32, i32
  }
  func.func @transform_1(%arg0: i32) -> (i32, i32) {
    %c0_i32 = arith.constant 0 : i32
    %c0_i32_0 = arith.constant 0 : i32
    return %arg0, %c0_i32 : i32, i32
  }
  func.func @transform_2(%arg0: i32) -> (i32, i32) {
    %c0_i32 = arith.constant 0 : i32
    %c0_i32_0 = arith.constant 0 : i32
    %c0_i32_1 = arith.constant 0 : i32
    return %c0_i32, %c0_i32_0 : i32, i32
  }
  func.func @transform_3(%arg0: i32) -> (i32, i32) {
    %c0_i32 = arith.constant 0 : i32
    %c0_i32_0 = arith.constant 0 : i32
    %c0_i32_1 = arith.constant 0 : i32
    return %c0_i32, %c0_i32_0 : i32, i32
  }
  func.func @transform_4(%arg0: i32) -> (i32, i32) {
    %c0_i32 = arith.constant 0 : i32
    %c0_i32_0 = arith.constant 0 : i32
    %c0_i32_1 = arith.constant 0 : i32
    return %c0_i32, %c0_i32_0 : i32, i32
  }
  func.func @transform_5(%arg0: i32) -> (i32, i32) {
    %c0_i32 = arith.constant 0 : i32
    %c0_i32_0 = arith.constant 0 : i32
    %c0_i32_1 = arith.constant 0 : i32
    return %c0_i32, %c0_i32_0 : i32, i32
  }
  func.func @transform_6(%arg0: i32) -> (i32, i32) {
    %c0_i32 = arith.constant 0 : i32
    %c0_i32_0 = arith.constant 0 : i32
    %c0_i32_1 = arith.constant 0 : i32
    return %c0_i32, %c0_i32_0 : i32, i32
  }
  func.func @transform_7(%arg0: i32) -> (i32, i32, i32) {
    %c0_i32 = arith.constant 0 : i32
    %c0_i32_0 = arith.constant 0 : i32
    %c0_i32_1 = arith.constant 0 : i32
    return %arg0, %c0_i32, %c0_i32_0 : i32, i32, i32
  }
}

</mosaic_0001>

<sc_bundles>
// kernel: kernel.4.cloned.1.call-start
scs
__scs_entry_jumppad:
0x0: {  	(pc) =	sbr.rel $0x88, $3  }
0x1: {  	(tag) =	ssettag $0x0;
	lr =	simm.s32 $0x1  }
0x2: {  	[smem:$0x3F98] =	sst lr;
	_ =	strace $0xD0000000  }
0x3: {  	_ = 	snop  }
0x4: {  	_ = 	snop  }
0x5: {  	_ = 	snop  }
0x6: {  	_ = 	snop  }
0x7: {  	_ = 	snop  }
__scs_overlays_trampoline_lowered:
0x8: {  	[smem:$0x3FA7] =	sst s0  }
0x9: {  	[smem:$0x3FA8] =	sst s1  }
0xa: {  	[smem:$0x3FA9] =	sst s2  }
0xb: {  	[smem:$0x3FAA] =	sst s3  }
0xc: {  	[smem:$0x3FAB] =	sst s4  }
0xd: {  	[smem:$0x3FAC] =	sst s5  }
0xe: {  	[smem:$0x3FAD] =	sst s6  }
0xf: {  	[smem:$0x3FAE] =	sst s7  }
0x10: {  	[smem:$0x3FAF] =	sst s8  }
0x11: {  	[smem:$0x3FB0] =	sst s9;
	s0 =	simm.s32 @!p0 $0x0  }
0x12: {  	s1 =	sld [smem:$0x3F96];
	s0 =	simm.s32 @p0 $0x1  }
0x13: {  	[smem:$0x3FB1] =	sst s0;
	s0 =	simm.s32 @!p1 $0x0  }
0x14: {  	s2 =	sld [smem:$0x3F95];
	s0 =	simm.s32 @p1 $0x1  }
0x15: {  	[smem:$0x3FB2] =	sst s0;
	s0 =	simm.s32 @!p2 $0x0  }
0x16: {  	s3 =	sld [smem:$0x3FDB];
	s0 =	simm.s32 @p2 $0x1  }
0x17: {  	s4 =	simm.s32 $0x1BF5;
	[smem:$0x3FB4] =	sst s0  }
0x18: {  	s0 =	sld [smem:$0x3F97];
	_ =	swait.ge [sflag:s4], $0x0  }
0x19: {  	s7 =	sld [smem:$0x3F98]  }
0x1a: {  	s8 =	sadd.s32 $0xFFFFE003, lr  }
0x1b: {  	s9 =	sadd.s32 $0xFFFFFEF7, lr;
	s5 =	simm.s32 $0xFFFFFFFF;
	p2 =	slt.u32 s8, $0xFFFFF086  }
0x1c: {  	p1 =	slt.u32 s9, $0xF7A;
	s5 =	simm.s32 @!p2 $0x0  }
0x1d: {  	s5 =	simm.s32 @p1 $0x1;
	p0 =	seq.s32 s7, s2  }
0x1e: {  	s7 =	smul.u32 @!p0 $0xF7A, s2;
	p2 =	seq.s32 @!p0 s5, $0x0  }
0x1f: {  	s9 =	smul.u32 $0xF7A, s1;
	s8 =	simm.s32 @!p0 $0x1BF5;
	p2 =	por !p2, p0  }
0x20: {  	[sflag:s8] =	ssyncset.s32 @!p0 $0xFFFFF086;
	s6 =	sadd.s32 @!p0 s3, s7;
	s7 =	simm.s32 @!p0 $0x108  }
0x21: {  	s3 =	sadd.s32 s3, s9;
	s6 =	sadd.s32 @!p0 $0x88, s6;
	s7 =	simm.s32 @p2 $0x1082  }
0x22: {  	[simem:s7], [sflag:s8] =	dma.local @!p0 [hbm:s6], $0xF7A  }
0x23: {  	s9 =	sor.u32 $0xD0000000, s2;
	s6 =	simm.s32 $0x108;
	_ =	swait.ge @!p0 [sflag:s8], $0x0  }
0x24: {  	s3 =	sadd.s32 $0x88, s3;
	s6 =	simm.s32 @!p1 $0x1082;
	[sflag:s4] =	ssyncset.s32 $0xFFFFF086  }
0x25: {  	[simem:s6], [sflag:s4] =	dma.local [hbm:s3], $0xF7A  }
0x26: {  	[smem:$0x3F98] =	sst s1;
	(tag) =	ssettag s2;
	_ =	strace s9  }
0x27: {  	s1 =	sld [smem:$0x3FA8]  }
0x28: {  	s2 =	sld [smem:$0x3FA9]  }
0x29: {  	s4 =	sld [smem:$0x3FAB]  }
0x2a: {  	p0 =	seq.s32 s5, $0x0;
	s5 =	sld [smem:$0x3FAC]  }
0x2b: {  	s6 =	sld [smem:$0x3FAD]  }
0x2c: {  	s7 =	sld [smem:$0x3FAE]  }
0x2d: {  	s3 =	simm.s32 $0x108;
	s8 =	sld [smem:$0x3FAF]  }
0x2e: {  	s3 =	simm.s32 @!p0 $0x1082;
	s9 =	sld [smem:$0x3FB0]  }
0x2f: {  	lr =	sadd.s32 s0, s3;
	s0 =	sld [smem:$0x3FA7]  }
0x30: {  	s3 =	sld [smem:$0x3FAA]  }
0x31: {  	[smem:$0x3FB3] =	sst s10  }
0x32: {  	s10 =	sld [smem:$0x3FB1];
	_ =	sdelay $0x3  }
0x33: {  	p0 =	seq.s32 s10, $0x1;
	s10 =	sld [smem:$0x3FB3];
	_ =	sdelay $0x3  }
0x34: {  	[smem:$0x3FB3] =	sst s10  }
0x35: {  	s10 =	sld [smem:$0x3FB2];
	_ =	sdelay $0x3  }
0x36: {  	p1 =	seq.s32 s10, $0x1;
	s10 =	sld [smem:$0x3FB3];
	_ =	sdelay $0x3  }
0x37: {  	[smem:$0x3FB3] =	sst s10  }
0x38: {  	s10 =	sld [smem:$0x3FB4]  }
0x39: {  	_ = 	snop;
	(pc) =	sbr.ind lr, $3  }
0x3a: {  	_ = 	snop  }
0x3b: {  	_ = 	snop  }
0x3c: {  	p2 =	seq.s32 s10, $0x1;
	s10 =	sld [smem:$0x3FB3]  }
0x3d: {  	_ =	shalt  }
0x3e: {  	_ =	shalt  }
0x3f: {  	_ =	shalt  }
0x40: {  	_ =	shalt  }
0x41: {  	_ =	shalt  }
0x42: {  	_ =	shalt  }
0x43: {  	_ =	shalt  }
0x44: {  	_ =	shalt  }
0x45: {  	_ =	shalt  }
0x46: {  	_ =	shalt  }
0x47: {  	_ =	shalt  }
0x48: {  	_ =	shalt  }
0x49: {  	_ =	shalt  }
0x4a: {  	_ =	shalt  }
0x4b: {  	_ =	shalt  }
0x4c: {  	_ =	shalt  }
0x4d: {  	_ =	shalt  }
0x4e: {  	_ =	shalt  }
0x4f: {  	_ =	shalt  }
0x50: {  	_ =	shalt  }
0x51: {  	_ =	shalt  }
0x52: {  	_ =	shalt  }
0x53: {  	_ =	shalt  }
0x54: {  	_ =	shalt  }
0x55: {  	_ =	shalt  }
0x56: {  	_ =	shalt  }
0x57: {  	_ =	shalt  }
0x58: {  	_ =	shalt  }
0x59: {  	_ =	shalt  }
0x5a: {  	_ =	shalt  }
0x5b: {  	_ =	shalt  }
0x5c: {  	_ =	shalt  }
0x5d: {  	_ =	shalt  }
0x5e: {  	_ =	shalt  }
0x5f: {  	_ =	shalt  }
0x60: {  	_ =	shalt  }
0x61: {  	_ =	shalt  }
0x62: {  	_ =	shalt  }
0x63: {  	_ =	shalt  }
0x64: {  	_ =	shalt  }
0x65: {  	_ =	shalt  }
0x66: {  	_ =	shalt  }
0x67: {  	_ =	shalt  }
0x68: {  	_ =	shalt  }
0x69: {  	_ =	shalt  }
0x6a: {  	_ =	shalt  }
0x6b: {  	_ =	shalt  }
0x6c: {  	_ =	shalt  }
0x6d: {  	_ =	shalt  }
0x6e: {  	_ =	shalt  }
0x6f: {  	_ =	shalt  }
0x70: {  	_ =	shalt  }
0x71: {  	_ =	shalt  }
0x72: {  	_ =	shalt  }
0x73: {  	_ =	shalt  }
0x74: {  	_ =	shalt  }
0x75: {  	_ =	shalt  }
0x76: {  	_ =	shalt  }
0x77: {  	_ =	shalt  }
0x78: {  	_ =	shalt  }
0x79: {  	_ =	shalt  }
0x7a: {  	_ =	shalt  }
0x7b: {  	_ =	shalt  }
0x7c: {  	_ =	shalt  }
0x7d: {  	_ =	shalt  }
0x7e: {  	_ =	shalt  }
0x7f: {  	_ =	shalt  }
0x80: {  	_ =	shalt  }
0x81: {  	_ =	shalt  }
0x82: {  	_ =	shalt  }
0x83: {  	_ =	shalt  }
0x84: {  	_ =	shalt  }
0x85: {  	_ =	shalt  }
0x86: {  	_ =	shalt  }
0x87: {  	_ =	shalt  }
.Lfunc_end0:
.L_simem_size_0:
called_computation_lowered:
.L_overlay_start_0:
0x88: {  	s2 =	sld [smem:$0x3FD9]  }
0x89: {  	s3 =	sld [smem:$0x3FFE];
	_ =	sdelay $0x1  }
0x8a: {  	s1 =	srdreg.scid  }
0x8b: {  	s0 =	sand.u32 $0x1, s1  }
0x8c: {  	s17 =	sshll.u32 s0, $0xA;
	s2 =	sadd.s32 s3, s2  }
0x8d: {  	s2 =	sadd.s32 s2, s17  }
0x8e: {  	[smem:$0x3FBF] =	sst s2  }
0x8f: {  	_ = 	snop  }
0x90: {  	s2 =	sld [smem:$0x3FC9]  }
0x91: {  	s18 =	sld [smem:$0x3FC8]  }
0x92: {  	s4 =	sld [smem:$0x3FC7]  }
0x93: {  	s5 =	sld [smem:$0x3FC6];
	(tm) =	ssettm $0x1  }
0x94: {  	s6 =	sld [smem:$0x3FFB];
	_ =	sdelay $0x3  }
0x95: {  	_ =	strace s6  }
0x96: {  	s6 =	sld [smem:$0x3FFC];
	_ =	sdelay $0x3  }
0x97: {  	_ =	strace s6  }
0x98: {  	s6 =	sld [smem:$0x3FFD];
	_ =	sdelay $0x3  }
0x99: {  	_ =	strace s6  }
0x9a: {  	_ =	strace $0x8FFFFFFF  }
0x9b: {  	s19 =	sld [smem:$0x3FDB];
	_ =	sdelay $0x1  }
0x9c: {  	s7 =	simm.s32 $_scs_section_size  }
0x9d: {  	s8 =	simm.s32 $_size__tile_overlayer_lowered;
	s9 =	simm.s32 $_tile_overlayer_lowered  }
0x9e: {  	s22 =	simm.s32 $0x1BFF;
	s21 =	sshll.u32 s9, $0x1;
	s6 =	sadd.s32 s7, s19  }
0x9f: {  	s10 =	simm.s32 $0x0;
	s20 =	sshll.u32 s8, $0x1;
	s8 =	sadd.s32 s21, s6  }
0xa0: {  	[timem:s10], [sflag:s22] =	dma.local [hbm:s8], s20  }
0xa1: {  	_ =	swait.ge [sflag:s22], s20  }
0xa2: {  	s7 =	ssub.s32 $0x0, s20;
	[sflag:s22] =	ssyncset.done $0x0  }
0xa3: {  	[sflag:s22] =	ssyncadd.s32 s7;
	_ =	sdelay $0x1  }
0xa4: {  	s23 =	simm.s32 $0x1B8B  }
0xa5: {  	_ =	swait.ge [sflag:s23], $0x1  }
0xa6: {  	[sflag:s23] =	ssyncset.done $0x0  }
0xa7: {  	s25 =	simm.s32 $0x1B8E;
	s24 =	sld [smem:$0x3FFE];
	[sflag:s23] =	ssyncadd.s32 $0xFFFFFFFF  }
0xa8: {  	s26 =	simm.s32 $execute0_lowered;
	[smem:$0x3FD2] =	sst s25  }
0xa9: {  	s8 =	sshll.u32 s26, $0x1;
	_ =	strace $0x80000046;
	[dreg:$0x1] =	wrdreg $0xFFFFFFFF  }
0xaa: {  	s28 =	simm.s32 $_size_execute0_lowered;
	s6 =	sadd.s32 s6, s8;
	[dreg:$0x0] =	wrdreg $0x0  }
0xab: {  	s8 =	sshll.u32 s28, $0x1;
	[dreg:$0x2] =	wrdreg s6  }
0xac: {  	[dreg:$0x3] =	wrdreg s8  }
0xad: {  	[dreg:$0x4] =	wrdreg $0xC0  }
0xae: {  	_ =	task [dreg:s10], $0x5FFFF  }
0xaf: {  	[dreg:$0x1] =	wrdreg $0xFFFFFFFF  }
0xb0: {  	[dreg:$0x0] =	wrdreg $0x60  }
0xb1: {  	[dreg:$0x2] =	wrdreg s2  }
0xb2: {  	[dreg:$0x3] =	wrdreg s18  }
0xb3: {  	[dreg:$0x4] =	wrdreg s4  }
0xb4: {  	[dreg:$0x5] =	wrdreg s5  }
0xb5: {  	[dreg:$0x6] =	wrdreg s24  }
0xb6: {  	[dreg:$0x7] =	wrdreg $0x9  }
0xb7: {  	_ =	task.clear_ibuf [dreg:s10], $0x8FFFF;
	_ =	strace $0x90000046  }
0xb8: {  	s29 =	simm.s32 $0x9;
	_ =	strace $0x80000048  }
0xb9: {  	_ =	swait.ge [sflag:s29], $0x1  }
0xba: {  	[sflag:s29] =	ssyncadd.s32 $0xFFFFFFFF  }
0xbb: {  	_ =	strace $0x90000048  }
0xbc: {  	_ =	sfence  }
0xbd: {  	s30 =	sld [smem:$0x0];
	_ =	sdelay $0x2  }
0xbe: {  	s31 =	sshll.u32 s1, $0xD;
	s1 =	sshrl.u32 s1, $0x2  }
0xbf: {  	s3 =	sand.u32 $0x4000, s31;
	s1 =	sadd.s32 s1, s30  }
0xc0: {  	s0 =	sor.u32 s3, s0;
	s1 =	sshll.u32 s1, $0x11  }
0xc1: {  	s0 =	sor.u32 s1, s0  }
0xc2: {  	s0 =	sadd.s32 $0x8F2B, s0  }
0xc3: {  	[sflag:s0] =	ssyncadd.remote.s32 $0x1  }
0xc4: {  	_ =	sfence.sel $0xFFFF  }
0xc5: {  	[dreg:$0x0] =	wrdreg $0xFFFFFFFF;
	(pc) =	sbr.abs _section_cstart, $3  }
0xc6: {  	[dreg:$0x1] =	wrdreg $0xFFFFFFFF  }
0xc7: {  	_ =	task.clear_ibuf [dreg:s10], $0x2FFFF;
	_ =	strace $0x9FFFFFFF  }
0xc8: {  	(tm) =	ssettm $0x7FFFFFFF  }
0xc9: {  	_ =	shalt  }
tec
execute0_lowered:
.L_overlay_start_1:
0x0: {  	(tag) =	ssettag $0x1  }
0x1: {  	s5 =	rddreg [dreg:$0x0]  }
0x2: {  	s7 =	rddreg [dreg:$0x1]  }
0x3: {  	s1 =	rddreg [dreg:$0x2];
	s2 =	srdreg.scid  }
0x4: {  	s3 =	rddreg [dreg:$0x3];
	s0 =	stileid.u32;
	s14 =	sand.u32 $0x1, s2  }
0x5: {  	s15 =	rddreg [dreg:$0x4];
	s6 =	sshll.u32 s0, $0x6;
	s8 =	sshll.u32 s14, $0x5  }
0x6: {  	s4 =	simm.s32 $0x0;
	s2 =	rddreg [dreg:$0x5];
	s16 =	sor.u32 s8, s6  }
0x7: {  	[smem:$0x7FF] =	sst s4;
	s8 =	sshrl.u32 s16, $0x3  }
0x8: {  	_ =	strace $0x80000047;
	s6 =	sadd.s32 s5, s8;
	s5 =	simm.s32 $0x3  }
0x9: {  	[tilespmem:s4], [sflag:$0x3] =	stream.linear.gather [hbm4b:s6+s4], $0x20, $0x38;
	[tilespmem:$0x2100] =	vst v63  }
0xa: {  	_ =	swait.ge [sflag:s5], $0x20  }
0xb: {  	[sflag:s5] =	ssyncset.done $0x0  }
0xc: {  	s7 =	sadd.s32 s7, s8;
	s8 =	simm.s32 $0x1080;
	[sflag:s5] =	ssyncadd.s32 $0xFFFFFFE0  }
0xd: {  	[tilespmem:s8], [sflag:$0x3] =	stream.linear.gather [hbm4b:s7+s4], $0x20, $0x38;
	[tilespmem:$0x2100] =	vst v63  }
0xe: {  	_ =	swait.ge [sflag:s5], $0x20  }
0xf: {  	[sflag:s5] =	ssyncset.done $0x0  }
0x10: {  	s9 =	simm.s32 $0x20;
	s10 =	simm.s32 $0x80;
	[sflag:s5] =	ssyncadd.s32 $0xFFFFFFE0  }
0x11: {  	[tilespmem:s10], [sflag:$0x1] =	stream.indirect.gather [hbm4b:s1+s9], $0x80, s4, s9, $0xb8;
	[tilespmem:$0x2100] =	vst v63  }
0x12: {  	s11 =	simm.s32 $0x1100;
	s12 =	simm.s32 $0x1  }
0x13: {  	[tilespmem:s11], [sflag:$0x2] =	stream.indirect.gather [hbm4b:s3+s9], $0x80, s8, s9, $0xb8;
	[tilespmem:$0x2100] =	vst v63  }
0x14: {  	_ =	swait.ge [sflag:s12], $0x1000  }
0x15: {  	[sflag:s12] =	ssyncset.done $0x0  }
0x16: {  	s13 =	simm.s32 $0x2;
	s31 =	ssub.s32 $0x2, s14;
	[sflag:s12] =	ssyncadd.s32 $0xFFFFF000  }
0x17: {  	s17 =	sshrl.u32 s31, $0x1;
	s16 =	sshll.u32 s16, $0x4;
	_ =	swait.ge [sflag:s13], $0x1000  }
0x18: {  	s15 =	sadd.s32 s16, s15;
	s16 =	ssub.s32 s31, s17;
	[sflag:s13] =	ssyncset.done $0x0  }
0x19: {  	s14 =	sadd.s32 $0x1600, s15;
	s16 =	smax.u32 s16, $0x1;
	[sflag:s13] =	ssyncadd.s32 $0xFFFFF000  }
0x1a: {  	[hbm4b:s14+s4] =	stream.linear.scatter [tilespmem:s10], [sflag:$0x3], $0x1000, $0x38;
	[tilespmem:$0x2100] =	vst v63  }
0x1b: {  	p0 =	sne.s32 s16, $0x1;
	_ =	swait.ge [sflag:s5], $0x1000  }
.Ltmp0:
0x1c: {  	[sflag:s5] =	ssyncset.done $0x0;
	(pc) =	sbr.rel @!p0 .LBB2_2-.Ltmp0, $4  }
0x1d: {  	s15 =	sadd.s32 $0x5600, s15;
	[sflag:s5] =	ssyncadd.s32 $0xFFFFF000  }
0x1e: {  	[hbm4b:s15+s4] =	stream.linear.scatter [tilespmem:s11], [sflag:$0x3], $0x1000, $0x38;
	[tilespmem:$0x2100] =	vst v63  }
0x1f: {  	_ =	swait.ge [sflag:s5], $0x1000  }
0x20: {  	s16 =	sadd.s32 $0xFFFFFFFF, s16;
	[sflag:s5] =	ssyncset.done $0x0  }
.LBB2_1:
0x21: {  	p0 =	sne.s32 s16, $0x1;
	s16 =	sadd.s32 $0xFFFFFFFF, s16;
	[sflag:s5] =	ssyncadd.s32 $0xFFFFF000  }
0x22: {  	[tilespmem:s4], [sflag:$0x3] =	stream.linear.gather [hbm4b:s6+s4], $0x20, $0x38;
	[tilespmem:$0x2100] =	vst v63  }
0x23: {  	_ =	swait.ge [sflag:s5], $0x20  }
0x24: {  	[sflag:s5] =	ssyncset.done $0x0  }
0x25: {  	[sflag:s5] =	ssyncadd.s32 $0xFFFFFFE0  }
0x26: {  	[tilespmem:s8], [sflag:$0x3] =	stream.linear.gather [hbm4b:s7+s4], $0x20, $0x38;
	[tilespmem:$0x2100] =	vst v63  }
0x27: {  	_ =	swait.ge [sflag:s5], $0x20  }
0x28: {  	[sflag:s5] =	ssyncset.done $0x0  }
0x29: {  	[sflag:s5] =	ssyncadd.s32 $0xFFFFFFE0  }
0x2a: {  	[tilespmem:s10], [sflag:$0x1] =	stream.indirect.gather [hbm4b:s1+s9], $0x80, s4, s9, $0xb8;
	[tilespmem:$0x2100] =	vst v63  }
0x2b: {  	_ = 	snop  }
0x2c: {  	[tilespmem:s11], [sflag:$0x2] =	stream.indirect.gather [hbm4b:s3+s9], $0x80, s8, s9, $0xb8;
	[tilespmem:$0x2100] =	vst v63  }
0x2d: {  	_ =	swait.ge [sflag:s12], $0x1000  }
0x2e: {  	[sflag:s12] =	ssyncset.done $0x0  }
0x2f: {  	[sflag:s12] =	ssyncadd.s32 $0xFFFFF000  }
0x30: {  	_ =	swait.ge [sflag:s13], $0x1000  }
0x31: {  	[sflag:s13] =	ssyncset.done $0x0  }
0x32: {  	[sflag:s13] =	ssyncadd.s32 $0xFFFFF000  }
0x33: {  	[hbm4b:s14+s4] =	stream.linear.scatter [tilespmem:s10], [sflag:$0x3], $0x1000, $0x38;
	[tilespmem:$0x2100] =	vst v63  }
0x34: {  	_ =	swait.ge [sflag:s5], $0x1000  }
.Ltmp1:
0x35: {  	[sflag:s5] =	ssyncset.done $0x0;
	(pc) =	sbr.rel @p0 .LBB2_1-.Ltmp1, $4  }
0x36: {  	[sflag:s5] =	ssyncadd.s32 $0xFFFFF000  }
0x37: {  	[hbm4b:s15+s4] =	stream.linear.scatter [tilespmem:s11], [sflag:$0x3], $0x1000, $0x38;
	[tilespmem:$0x2100] =	vst v63  }
0x38: {  	_ =	swait.ge [sflag:s5], $0x1000  }
0x39: {  	[sflag:s5] =	ssyncset.done $0x0  }
.LBB2_2:
0x3a: {  	[sflag:s5] =	ssyncadd.s32 $0xFFFFF000  }
0x3b: {  	_ =	sfence.sel $0x180000  }
0x3c: {  	[bflag:$0x0] =	sbarrier.arrive $0xFFFF  }
0x3d: {  	p0 =	sne.s32 s0, $0x0;
	_ =	strace $0x90000047  }
0x3e: {  	s0 =	sadd.s32 @!p0 $0x100000, s2;
	[bflag:$0x2] =	sbarrier.arrive $0xFFFF  }
0x3f: {  	[sflag:s0] =	ssyncadd.tile.s32 @!p0 $0x1;
	_ =	shalt  }
.Lfunc_end2:
_tile_overlayer_lowered:
.L_overlay_start_2:
0x40: {  	(tag) =	ssettag $0x2  }
0x41: {  	s0 =	rddreg [dreg:$0x0];
	s2 =	stileid.u32  }
0x42: {  	s1 =	rddreg [dreg:$0x1];
	p0 =	sne.s32 s2, $0x0  }
0x43: {  	s3 =	rddreg [dreg:$0x2];
	[bflag:$0x3] =	sbarrier.arrive $0xFFFF;
	s2 =	simm.s32 @!p0 $0x1C03  }
0x44: {  	[timem:s3], [sflag:s2] =	dma.local @!p0 [hbm:s0], s1  }
0x45: {  	s0 =	simm.s32 @!p0 $0x3  }
0x46: {  	_ =	swait.ge @!p0 [sflag:s0], s1  }
0x47: {  	s1 =	ssub.s32 @!p0 $0x0, s1;
	[sflag:s0] =	ssyncset.done @!p0 $0x0  }
0x48: {  	[sflag:s0] =	ssyncadd.s32 @!p0 s1  }
0x49: {  	[bflag:$0x3] =	sbarrier.arrive $0xFFFF  }
0x4a: {  	_ =	shalt  }

</sc_bundles>
